<compile_context>
chip_gen: v7x
topology: tpu7x:2x2x1
jax: 0.10.2.dev20260603
libtpu: 0.0.44.dev20260713+nightly
codegen_flags: <defaults>
</compile_context>

<pallas_src>
import functools

import jax
import jax.numpy as jnp
from jax import lax
from jax.experimental import pallas as pl
from jax.experimental.pallas import tpu as pltpu
from jax.experimental.pallas import tpu_sc as plsc

N = 10000
D = 128
DC = 48
C = 40
NSC = 2
NTILES = 16
E = 320000
CHUNK = 200
CA = 50
CB = 50
CHUNK3 = 1000
CA3 = 10
CB3 = 10
ACC_ROWS = N
ZROWS = ACC_ROWS // NTILES
OROWS = N // NTILES


def _make_msgpass(d, chunk, ca, cb, stage_table=False):
  mesh = plsc.VectorSubcoreMesh(core_axis_name="c", subcore_axis_name="s")
  cmax = max(ca, cb)

  @functools.partial(
      pl.kernel,
      out_type=jax.ShapeDtypeStruct((NSC, N, d), jnp.float32),
      mesh=mesh,
      scratch_types=[
          pltpu.VMEM((cmax, chunk), jnp.int32),
          pltpu.VMEM((cmax, chunk), jnp.int32),
          pltpu.VMEM((chunk, d), jnp.float32),
          pltpu.VMEM_SHARED((ACC_ROWS, d), jnp.float32),
          pltpu.VMEM_SHARED((N, d), jnp.float32) if stage_table else None,
          pltpu.SemaphoreType.DMA,
      ],
      compiler_params=pltpu.CompilerParams(use_tc_tiling_on_sc=False),
  )
  def msgpass(src_hbm, dst_hbm, zeros_hbm, y_hbm, out_hbm,
              idx_s, idx_d, rows, acc, table, sem):
    c = lax.axis_index("c")
    s = lax.axis_index("s")

    @pl.when(c == 0)
    def _():
      pltpu.async_copy(src_hbm.at[pl.ds(s * ca, ca)], idx_s.at[pl.ds(0, ca)],
                       sem)
      pltpu.async_copy(dst_hbm.at[pl.ds(s * ca, ca)], idx_d.at[pl.ds(0, ca)],
                       sem)

    @pl.when(c == 1)
    def _():
      pltpu.async_copy(src_hbm.at[pl.ds(NTILES * ca + s * cb, cb)],
                       idx_s.at[pl.ds(0, cb)], sem)
      pltpu.async_copy(dst_hbm.at[pl.ds(NTILES * ca + s * cb, cb)],
                       idx_d.at[pl.ds(0, cb)], sem)

    pltpu.async_copy(zeros_hbm, acc.at[pl.ds(s * ZROWS, ZROWS)], sem)
    if stage_table:
      pltpu.async_copy(y_hbm.at[pl.ds(s * OROWS, OROWS)],
                       table.at[pl.ds(s * OROWS, OROWS)], sem)

    @pl.when(c == 0)
    def _():
      pltpu.make_async_copy(src_hbm.at[pl.ds(s * ca, ca)],
                            idx_s.at[pl.ds(0, ca)], sem).wait()
      pltpu.make_async_copy(dst_hbm.at[pl.ds(s * ca, ca)],
                            idx_d.at[pl.ds(0, ca)], sem).wait()

    @pl.when(c == 1)
    def _():
      pltpu.make_async_copy(src_hbm.at[pl.ds(NTILES * ca + s * cb, cb)],
                            idx_s.at[pl.ds(0, cb)], sem).wait()
      pltpu.make_async_copy(dst_hbm.at[pl.ds(NTILES * ca + s * cb, cb)],
                            idx_d.at[pl.ds(0, cb)], sem).wait()

    pltpu.make_async_copy(zeros_hbm, acc.at[pl.ds(s * ZROWS, ZROWS)],
                          sem).wait()
    if stage_table:
      pltpu.make_async_copy(y_hbm.at[pl.ds(s * OROWS, OROWS)],
                            table.at[pl.ds(s * OROWS, OROWS)], sem).wait()
    plsc.subcore_barrier()
    n = jnp.where(c == 0, ca, cb)

    gsrc = table if stage_table else y_hbm

    @pl.loop(0, n)
    def _(j):
      pltpu.async_copy(gsrc.at[idx_s.at[j]], rows, sem).wait()
      pltpu.sync_copy(rows, acc.at[idx_d.at[j]], add=True)

    plsc.subcore_barrier()
    pltpu.sync_copy(acc.at[pl.ds(s * OROWS, OROWS)],
                    out_hbm.at[c, pl.ds(s * OROWS, OROWS)])

  return msgpass


_R = 1000


def _tc_fuse1(a0p, W0, b0, Wi0, bi0):
  def body(a_ref, w_ref, b_ref, wi_ref, bi_ref, h_ref, ie_ref):
    a = a_ref[0] + a_ref[1]
    h = jnp.maximum(
        jnp.dot(a, w_ref[...], preferred_element_type=jnp.float32) + b_ref[...],
        0.0)
    h_ref[...] = h
    ie_ref[...] = (
        jnp.dot(h, wi_ref[...], preferred_element_type=jnp.float32) + bi_ref[...])

  return pl.pallas_call(
      body,
      grid=(N // _R,),
      in_specs=[
          pl.BlockSpec((NSC, _R, D), lambda i: (0, i, 0)),
          pl.BlockSpec((D, D), lambda i: (0, 0)),
          pl.BlockSpec((1, D), lambda i: (0, 0)),
          pl.BlockSpec((D, C), lambda i: (0, 0)),
          pl.BlockSpec((1, C), lambda i: (0, 0)),
      ],
      out_specs=[
          pl.BlockSpec((_R, D), lambda i: (i, 0)),
          pl.BlockSpec((_R, C), lambda i: (i, 0)),
      ],
      out_shape=[
          jax.ShapeDtypeStruct((N, D), jnp.float32),
          jax.ShapeDtypeStruct((N, C), jnp.float32),
      ],
  )(a0p, W0, b0, Wi0, bi0)


def _tc_fuse2(a1p, W1, b1, Wi1, bi1, W2p, b2, ie0):
  def body(a_ref, w_ref, b_ref, wi_ref, bi_ref, w2_ref, b2_ref, ie_ref,
           ie2_ref, y2_ref):
    a = a_ref[0] + a_ref[1]
    h = jnp.maximum(
        jnp.dot(a, w_ref[...], preferred_element_type=jnp.float32) + b_ref[...],
        0.0)
    ie2_ref[...] = (
        ie_ref[...]
        + jnp.dot(h, wi_ref[...], preferred_element_type=jnp.float32)
        + bi_ref[...] + b2_ref[...])
    y2_ref[...] = jnp.dot(h, w2_ref[...], preferred_element_type=jnp.float32)

  return pl.pallas_call(
      body,
      grid=(N // _R,),
      in_specs=[
          pl.BlockSpec((NSC, _R, D), lambda i: (0, i, 0)),
          pl.BlockSpec((D, D), lambda i: (0, 0)),
          pl.BlockSpec((1, D), lambda i: (0, 0)),
          pl.BlockSpec((D, C), lambda i: (0, 0)),
          pl.BlockSpec((1, C), lambda i: (0, 0)),
          pl.BlockSpec((D, DC), lambda i: (0, 0)),
          pl.BlockSpec((1, C), lambda i: (0, 0)),
          pl.BlockSpec((_R, C), lambda i: (i, 0)),
      ],
      out_specs=[
          pl.BlockSpec((_R, C), lambda i: (i, 0)),
          pl.BlockSpec((_R, DC), lambda i: (i, 0)),
      ],
      out_shape=[
          jax.ShapeDtypeStruct((N, C), jnp.float32),
          jax.ShapeDtypeStruct((N, DC), jnp.float32),
      ],
  )(a1p, W1, b1, Wi1, bi1, W2p, b2, ie0)


def _tc_fuse3(a2p, ie2):
  def body(a_ref, ie_ref, o_ref):
    o_ref[...] = a_ref[0][:, :C] + a_ref[1][:, :C] + ie_ref[...]

  return pl.pallas_call(
      body,
      grid=(N // _R,),
      in_specs=[
          pl.BlockSpec((NSC, _R, DC), lambda i: (0, i, 0)),
          pl.BlockSpec((_R, C), lambda i: (i, 0)),
      ],
      out_specs=pl.BlockSpec((_R, C), lambda i: (i, 0)),
      out_shape=jax.ShapeDtypeStruct((N, C), jnp.float32),
  )(a2p, ie2)


def kernel(graph, features, W0, b0, W1, b1, W2, b2, Wi0, bi0, Wi1, bi1):
  src, dst = graph[0], graph[1]
  srcp = src.reshape(E // CHUNK, CHUNK)
  dstp = dst.reshape(E // CHUNK, CHUNK)
  srcp3 = src.reshape(E // CHUNK3, CHUNK3)
  dstp3 = dst.reshape(E // CHUNK3, CHUNK3)
  zeros128 = jnp.zeros((ZROWS, D), jnp.float32)
  zeros48 = jnp.zeros((ZROWS, DC), jnp.float32)

  mp128 = _make_msgpass(D, CHUNK, CA, CB)
  mp48 = _make_msgpass(DC, CHUNK3, CA3, CB3, stage_table=True)

  a0p = mp128(srcp, dstp, zeros128, features)
  h1, ie0 = _tc_fuse1(a0p, W0, b0.reshape(1, D), Wi0, bi0.reshape(1, C))
  a1p = mp128(srcp, dstp, zeros128, h1)
  W2p = jnp.pad(W2, ((0, 0), (0, DC - C)))
  ie2, y2 = _tc_fuse2(a1p, W1, b1.reshape(1, D), Wi1, bi1.reshape(1, C),
                      W2p, b2.reshape(1, C), ie0)
  a2p = mp48(srcp3, dstp3, zeros48, y2)
  return _tc_fuse3(a2p, ie2)

# --- scband reference (transcript-rebuilt; emitter-appended) ---
"""Pipeline reference for scband-our-network-48404281426188 (READ-ONLY COPY).

The authoritative reference and input builder live on the scoring server;
editing this copy changes nothing except your own understanding.
"""

import jax, jax.numpy as jnp
import numpy as np

N_NODES = 10000
N_EDGES = 320000
D_IN = 128
D_HID = 128
N_CLASSES = 40


def setup_inputs(seed: int = 0) -> dict:
    key = jax.random.key(seed)
    ks = jax.random.split(key, 12)
    features = jax.random.normal(ks[0], (N_NODES, D_IN), dtype=jnp.float32)
    graph = jax.random.randint(ks[1], (2, N_EDGES), 0, N_NODES, dtype=jnp.int32)
    def lin(k, fan_in, fan_out):
        s = 1.0 / np.sqrt(fan_in)
        return jax.random.uniform(k, (fan_in, fan_out), jnp.float32, -s, s)
    def bias(k, fan_in, fan_out):
        s = 1.0 / np.sqrt(fan_in)
        return jax.random.uniform(k, (fan_out,), jnp.float32, -s, s)
    return {
        'graph': graph,
        'features': features,
        'W0': lin(ks[2], D_IN, D_HID), 'b0': bias(ks[3], D_IN, D_HID),
        'W1': lin(ks[4], D_HID, D_HID), 'b1': bias(ks[5], D_HID, D_HID),
        'W2': lin(ks[6], D_HID, N_CLASSES), 'b2': bias(ks[7], D_HID, N_CLASSES),
        'Wi0': lin(ks[8], D_HID, N_CLASSES), 'bi0': bias(ks[9], D_HID, N_CLASSES),
        'Wi1': lin(ks[10], D_HID, N_CLASSES), 'bi1': bias(ks[11], D_HID, N_CLASSES),
    }


def _our_layer(x, src, dst, W, b, act):
    # message passing: gather source features along edges, scatter-add into dst
    msg = jnp.take(x, src, axis=0)
    agg = jax.ops.segment_sum(msg, dst, num_segments=N_NODES)
    h = agg @ W + b
    if act is not None:
        h = act(h)
    return h


def reference(graph, features, W0, b0, W1, b1, W2, b2, Wi0, bi0, Wi1, bi1):
    src, dst = graph[0], graph[1]
    # eval mode: dropout is identity
    h = _our_layer(features, src, dst, W0, b0, jax.nn.relu)
    ie0 = h @ Wi0 + bi0
    h = _our_layer(h, src, dst, W1, b1, jax.nn.relu)
    ie1 = h @ Wi1 + bi1
    h = _our_layer(h, src, dst, W2, b2, None)
    # stack intermediate embeddings and sum over layer axis
    out = jnp.stack([ie0, ie1, h]).sum(0)
    return out

if __name__ == "__main__":
    import jax
    _d = setup_inputs()
    print(jax.jit(kernel)(*tuple(_d.values())))

</pallas_src>

<mosaic_0001>
#map = affine_map<(d0, d1) -> (0, 0)>
#map1 = affine_map<(d0, d1) -> (0, 0, 0)>
module attributes {stable_mosaic.version = 14 : i64} {
  func.func @msgpass(%arg0: i32, %arg1: i32, %arg2: memref<1600x200xi32, #tpu.memory_space<hbm>>, %arg3: memref<1600x200xi32, #tpu.memory_space<hbm>>, %arg4: memref<625x128xf32, #tpu.memory_space<hbm>>, %arg5: memref<10000x128xf32, #tpu.memory_space<hbm>>, %arg6: memref<2x10000x128xf32, #tpu.memory_space<hbm>>, %arg7: memref<50x200xi32, #tpu.memory_space<vmem>>, %arg8: memref<50x200xi32, #tpu.memory_space<vmem>>, %arg9: memref<200x128xf32, #tpu.memory_space<vmem>>, %arg10: memref<10000x128xf32, #tpu.memory_space<vmem_shared>>, %arg11: memref<!tpu.dma_semaphore, #tpu.memory_space<semaphore_mem>>) attributes {dimension_semantics = [#tpu.dimension_semantics<core_parallel>, #tpu.dimension_semantics<subcore_parallel>], iteration_bounds = array<i64: 2, 16>, scalar_prefetch = 0 : i64, scratch_operands = 5 : i64, tpu.core_type = #tpu.core_type<sc_vector_subcore>, window_params = [{transform_indices = #map}, {transform_indices = #map}, {transform_indices = #map}, {transform_indices = #map}, {transform_indices = #map1}]} {
    %eq3A = arith.constant 0 : i32
    %eq3A_0 = arith.cmpi eq, %arg0, %eq3A : i32
    %convert_element_type3A = arith.extui %eq3A_0 : i1 to i32
    %cond3A = arith.constant 0 : i32
    %cond3A_1 = arith.cmpi ne, %convert_element_type3A, %cond3A : i32
    scf.if %cond3A_1 {
      %mul3A_45 = arith.constant 50 : i32
      %mul3A_46 = arith.muli %arg1, %mul3A_45 : i32
      %dma_start3A_47 = arith.constant 0 : i32
      %dma_start3A_48 = arith.constant 0 : i32
      %dma_start3A_49 = tpu.memref_slice %arg7[%dma_start3A_47, %dma_start3A_48] : memref<50x200xi32, #tpu.memory_space<vmem>> -> memref<50x200xi32, #tpu.memory_space<vmem>>
      %dma_start3A_50 = arith.constant 0 : i32
      %dma_start3A_51 = tpu.memref_slice %arg2[%mul3A_46, %dma_start3A_50] : memref<1600x200xi32, #tpu.memory_space<hbm>> -> memref<50x200xi32, #tpu.memory_space<hbm>>
      %dma_start3A_52 = arith.constant 0 : i32
      %dma_start3A_53 = arith.constant 0 : i32
      %dma_start3A_54 = tpu.memref_slice %arg7[%dma_start3A_52, %dma_start3A_53] : memref<50x200xi32, #tpu.memory_space<vmem>> -> memref<50x200xi32, #tpu.memory_space<vmem>>
      %dma_start3A_55 = arith.constant 0 : i32
      %dma_start3A_56 = tpu.memref_slice %arg2[%mul3A_46, %dma_start3A_55] : memref<1600x200xi32, #tpu.memory_space<hbm>> -> memref<50x200xi32, #tpu.memory_space<hbm>>
      tpu.enqueue_dma source(%dma_start3A_56 : memref<50x200xi32, #tpu.memory_space<hbm>>) target(%dma_start3A_54 : memref<50x200xi32, #tpu.memory_space<vmem>>) target_semaphore(%arg11 : memref<!tpu.dma_semaphore, #tpu.memory_space<semaphore_mem>>)
      %mul3A_57 = arith.constant 50 : i32
      %mul3A_58 = arith.muli %arg1, %mul3A_57 : i32
      %dma_start3A_59 = arith.constant 0 : i32
      %dma_start3A_60 = arith.constant 0 : i32
      %dma_start3A_61 = tpu.memref_slice %arg8[%dma_start3A_59, %dma_start3A_60] : memref<50x200xi32, #tpu.memory_space<vmem>> -> memref<50x200xi32, #tpu.memory_space<vmem>>
      %dma_start3A_62 = arith.constant 0 : i32
      %dma_start3A_63 = tpu.memref_slice %arg3[%mul3A_58, %dma_start3A_62] : memref<1600x200xi32, #tpu.memory_space<hbm>> -> memref<50x200xi32, #tpu.memory_space<hbm>>
      %dma_start3A_64 = arith.constant 0 : i32
      %dma_start3A_65 = arith.constant 0 : i32
      %dma_start3A_66 = tpu.memref_slice %arg8[%dma_start3A_64, %dma_start3A_65] : memref<50x200xi32, #tpu.memory_space<vmem>> -> memref<50x200xi32, #tpu.memory_space<vmem>>
      %dma_start3A_67 = arith.constant 0 : i32
      %dma_start3A_68 = tpu.memref_slice %arg3[%mul3A_58, %dma_start3A_67] : memref<1600x200xi32, #tpu.memory_space<hbm>> -> memref<50x200xi32, #tpu.memory_space<hbm>>
      tpu.enqueue_dma source(%dma_start3A_68 : memref<50x200xi32, #tpu.memory_space<hbm>>) target(%dma_start3A_66 : memref<50x200xi32, #tpu.memory_space<vmem>>) target_semaphore(%arg11 : memref<!tpu.dma_semaphore, #tpu.memory_space<semaphore_mem>>)
    } else {
    }
    %eq3A_2 = arith.constant 1 : i32
    %eq3A_3 = arith.cmpi eq, %arg0, %eq3A_2 : i32
    %convert_element_type3A_4 = arith.extui %eq3A_3 : i1 to i32
    %cond3A_5 = arith.constant 0 : i32
    %cond3A_6 = arith.cmpi ne, %convert_element_type3A_4, %cond3A_5 : i32
    scf.if %cond3A_6 {
      %mul3A_45 = arith.constant 50 : i32
      %mul3A_46 = arith.muli %arg1, %mul3A_45 : i32
      %add3A_47 = arith.constant 800 : i32
      %add3A_48 = arith.addi %add3A_47, %mul3A_46 : i32
      %dma_start3A_49 = arith.constant 0 : i32
      %dma_start3A_50 = arith.constant 0 : i32
      %dma_start3A_51 = tpu.memref_slice %arg7[%dma_start3A_49, %dma_start3A_50] : memref<50x200xi32, #tpu.memory_space<vmem>> -> memref<50x200xi32, #tpu.memory_space<vmem>>
      %dma_start3A_52 = arith.constant 0 : i32
      %dma_start3A_53 = tpu.memref_slice %arg2[%add3A_48, %dma_start3A_52] : memref<1600x200xi32, #tpu.memory_space<hbm>> -> memref<50x200xi32, #tpu.memory_space<hbm>>
      %dma_start3A_54 = arith.constant 0 : i32
      %dma_start3A_55 = arith.constant 0 : i32
      %dma_start3A_56 = tpu.memref_slice %arg7[%dma_start3A_54, %dma_start3A_55] : memref<50x200xi32, #tpu.memory_space<vmem>> -> memref<50x200xi32, #tpu.memory_space<vmem>>
      %dma_start3A_57 = arith.constant 0 : i32
      %dma_start3A_58 = tpu.memref_slice %arg2[%add3A_48, %dma_start3A_57] : memref<1600x200xi32, #tpu.memory_space<hbm>> -> memref<50x200xi32, #tpu.memory_space<hbm>>
      tpu.enqueue_dma source(%dma_start3A_58 : memref<50x200xi32, #tpu.memory_space<hbm>>) target(%dma_start3A_56 : memref<50x200xi32, #tpu.memory_space<vmem>>) target_semaphore(%arg11 : memref<!tpu.dma_semaphore, #tpu.memory_space<semaphore_mem>>)
      %mul3A_59 = arith.constant 50 : i32
      %mul3A_60 = arith.muli %arg1, %mul3A_59 : i32
      %add3A_61 = arith.constant 800 : i32
      %add3A_62 = arith.addi %add3A_61, %mul3A_60 : i32
      %dma_start3A_63 = arith.constant 0 : i32
      %dma_start3A_64 = arith.constant 0 : i32
      %dma_start3A_65 = tpu.memref_slice %arg8[%dma_start3A_63, %dma_start3A_64] : memref<50x200xi32, #tpu.memory_space<vmem>> -> memref<50x200xi32, #tpu.memory_space<vmem>>
      %dma_start3A_66 = arith.constant 0 : i32
      %dma_start3A_67 = tpu.memref_slice %arg3[%add3A_62, %dma_start3A_66] : memref<1600x200xi32, #tpu.memory_space<hbm>> -> memref<50x200xi32, #tpu.memory_space<hbm>>
      %dma_start3A_68 = arith.constant 0 : i32
      %dma_start3A_69 = arith.constant 0 : i32
      %dma_start3A_70 = tpu.memref_slice %arg8[%dma_start3A_68, %dma_start3A_69] : memref<50x200xi32, #tpu.memory_space<vmem>> -> memref<50x200xi32, #tpu.memory_space<vmem>>
      %dma_start3A_71 = arith.constant 0 : i32
      %dma_start3A_72 = tpu.memref_slice %arg3[%add3A_62, %dma_start3A_71] : memref<1600x200xi32, #tpu.memory_space<hbm>> -> memref<50x200xi32, #tpu.memory_space<hbm>>
      tpu.enqueue_dma source(%dma_start3A_72 : memref<50x200xi32, #tpu.memory_space<hbm>>) target(%dma_start3A_70 : memref<50x200xi32, #tpu.memory_space<vmem>>) target_semaphore(%arg11 : memref<!tpu.dma_semaphore, #tpu.memory_space<semaphore_mem>>)
    } else {
    }
    %mul3A = arith.constant 625 : i32
    %mul3A_7 = arith.muli %arg1, %mul3A : i32
    %dma_start3A = arith.constant 0 : i32
    %dma_start3A_8 = tpu.memref_slice %arg10[%mul3A_7, %dma_start3A] : memref<10000x128xf32, #tpu.memory_space<vmem_shared>> -> memref<625x128xf32, #tpu.memory_space<vmem_shared>>
    tpu.enqueue_dma source(%arg4 : memref<625x128xf32, #tpu.memory_space<hbm>>) target(%dma_start3A_8 : memref<625x128xf32, #tpu.memory_space<vmem_shared>>) target_semaphore(%arg11 : memref<!tpu.dma_semaphore, #tpu.memory_space<semaphore_mem>>)
    %eq3A_9 = arith.constant 0 : i32
    %eq3A_10 = arith.cmpi eq, %arg0, %eq3A_9 : i32
    %convert_element_type3A_11 = arith.extui %eq3A_10 : i1 to i32
    %cond3A_12 = arith.constant 0 : i32
    %cond3A_13 = arith.cmpi ne, %convert_element_type3A_11, %cond3A_12 : i32
    scf.if %cond3A_13 {
      %mul3A_45 = arith.constant 50 : i32
      %mul3A_46 = arith.muli %arg1, %mul3A_45 : i32
      %dma_wait3A_47 = arith.constant 0 : i32
      %dma_wait3A_48 = arith.constant 0 : i32
      %dma_wait3A_49 = tpu.memref_slice %arg7[%dma_wait3A_47, %dma_wait3A_48] : memref<50x200xi32, #tpu.memory_space<vmem>> -> memref<50x200xi32, #tpu.memory_space<vmem>>
      %dma_wait3A_50 = arith.constant 0 : i32
      %dma_wait3A_51 = tpu.memref_slice %arg2[%mul3A_46, %dma_wait3A_50] : memref<1600x200xi32, #tpu.memory_space<hbm>> -> memref<50x200xi32, #tpu.memory_space<hbm>>
      %dma_wait3A_52 = arith.constant 0 : i32
      %dma_wait3A_53 = arith.constant 0 : i32
      %dma_wait3A_54 = tpu.memref_slice %arg7[%dma_wait3A_52, %dma_wait3A_53] : memref<50x200xi32, #tpu.memory_space<vmem>> -> memref<50x200xi32, #tpu.memory_space<vmem>>
      %dma_wait3A_55 = arith.constant 0 : i32
      %dma_wait3A_56 = tpu.memref_slice %arg2[%mul3A_46, %dma_wait3A_55] : memref<1600x200xi32, #tpu.memory_space<hbm>> -> memref<50x200xi32, #tpu.memory_space<hbm>>
      tpu.wait_dma2 semaphore(%arg11 : memref<!tpu.dma_semaphore, #tpu.memory_space<semaphore_mem>>) src(%dma_wait3A_56 : memref<50x200xi32, #tpu.memory_space<hbm>>) dst(%dma_wait3A_54 : memref<50x200xi32, #tpu.memory_space<vmem>>)
      %mul3A_57 = arith.constant 50 : i32
      %mul3A_58 = arith.muli %arg1, %mul3A_57 : i32
      %dma_wait3A_59 = arith.constant 0 : i32
      %dma_wait3A_60 = arith.constant 0 : i32
      %dma_wait3A_61 = tpu.memref_slice %arg8[%dma_wait3A_59, %dma_wait3A_60] : memref<50x200xi32, #tpu.memory_space<vmem>> -> memref<50x200xi32, #tpu.memory_space<vmem>>
      %dma_wait3A_62 = arith.constant 0 : i32
      %dma_wait3A_63 = tpu.memref_slice %arg3[%mul3A_58, %dma_wait3A_62] : memref<1600x200xi32, #tpu.memory_space<hbm>> -> memref<50x200xi32, #tpu.memory_space<hbm>>
      %dma_wait3A_64 = arith.constant 0 : i32
      %dma_wait3A_65 = arith.constant 0 : i32
      %dma_wait3A_66 = tpu.memref_slice %arg8[%dma_wait3A_64, %dma_wait3A_65] : memref<50x200xi32, #tpu.memory_space<vmem>> -> memref<50x200xi32, #tpu.memory_space<vmem>>
      %dma_wait3A_67 = arith.constant 0 : i32
      %dma_wait3A_68 = tpu.memref_slice %arg3[%mul3A_58, %dma_wait3A_67] : memref<1600x200xi32, #tpu.memory_space<hbm>> -> memref<50x200xi32, #tpu.memory_space<hbm>>
      tpu.wait_dma2 semaphore(%arg11 : memref<!tpu.dma_semaphore, #tpu.memory_space<semaphore_mem>>) src(%dma_wait3A_68 : memref<50x200xi32, #tpu.memory_space<hbm>>) dst(%dma_wait3A_66 : memref<50x200xi32, #tpu.memory_space<vmem>>)
    } else {
    }
    %eq3A_14 = arith.constant 1 : i32
    %eq3A_15 = arith.cmpi eq, %arg0, %eq3A_14 : i32
    %convert_element_type3A_16 = arith.extui %eq3A_15 : i1 to i32
    %cond3A_17 = arith.constant 0 : i32
    %cond3A_18 = arith.cmpi ne, %convert_element_type3A_16, %cond3A_17 : i32
    scf.if %cond3A_18 {
      %mul3A_45 = arith.constant 50 : i32
      %mul3A_46 = arith.muli %arg1, %mul3A_45 : i32
      %add3A_47 = arith.constant 800 : i32
      %add3A_48 = arith.addi %add3A_47, %mul3A_46 : i32
      %dma_wait3A_49 = arith.constant 0 : i32
      %dma_wait3A_50 = arith.constant 0 : i32
      %dma_wait3A_51 = tpu.memref_slice %arg7[%dma_wait3A_49, %dma_wait3A_50] : memref<50x200xi32, #tpu.memory_space<vmem>> -> memref<50x200xi32, #tpu.memory_space<vmem>>
      %dma_wait3A_52 = arith.constant 0 : i32
      %dma_wait3A_53 = tpu.memref_slice %arg2[%add3A_48, %dma_wait3A_52] : memref<1600x200xi32, #tpu.memory_space<hbm>> -> memref<50x200xi32, #tpu.memory_space<hbm>>
      %dma_wait3A_54 = arith.constant 0 : i32
      %dma_wait3A_55 = arith.constant 0 : i32
      %dma_wait3A_56 = tpu.memref_slice %arg7[%dma_wait3A_54, %dma_wait3A_55] : memref<50x200xi32, #tpu.memory_space<vmem>> -> memref<50x200xi32, #tpu.memory_space<vmem>>
      %dma_wait3A_57 = arith.constant 0 : i32
      %dma_wait3A_58 = tpu.memref_slice %arg2[%add3A_48, %dma_wait3A_57] : memref<1600x200xi32, #tpu.memory_space<hbm>> -> memref<50x200xi32, #tpu.memory_space<hbm>>
      tpu.wait_dma2 semaphore(%arg11 : memref<!tpu.dma_semaphore, #tpu.memory_space<semaphore_mem>>) src(%dma_wait3A_58 : memref<50x200xi32, #tpu.memory_space<hbm>>) dst(%dma_wait3A_56 : memref<50x200xi32, #tpu.memory_space<vmem>>)
      %mul3A_59 = arith.constant 50 : i32
      %mul3A_60 = arith.muli %arg1, %mul3A_59 : i32
      %add3A_61 = arith.constant 800 : i32
      %add3A_62 = arith.addi %add3A_61, %mul3A_60 : i32
      %dma_wait3A_63 = arith.constant 0 : i32
      %dma_wait3A_64 = arith.constant 0 : i32
      %dma_wait3A_65 = tpu.memref_slice %arg8[%dma_wait3A_63, %dma_wait3A_64] : memref<50x200xi32, #tpu.memory_space<vmem>> -> memref<50x200xi32, #tpu.memory_space<vmem>>
      %dma_wait3A_66 = arith.constant 0 : i32
      %dma_wait3A_67 = tpu.memref_slice %arg3[%add3A_62, %dma_wait3A_66] : memref<1600x200xi32, #tpu.memory_space<hbm>> -> memref<50x200xi32, #tpu.memory_space<hbm>>
      %dma_wait3A_68 = arith.constant 0 : i32
      %dma_wait3A_69 = arith.constant 0 : i32
      %dma_wait3A_70 = tpu.memref_slice %arg8[%dma_wait3A_68, %dma_wait3A_69] : memref<50x200xi32, #tpu.memory_space<vmem>> -> memref<50x200xi32, #tpu.memory_space<vmem>>
      %dma_wait3A_71 = arith.constant 0 : i32
      %dma_wait3A_72 = tpu.memref_slice %arg3[%add3A_62, %dma_wait3A_71] : memref<1600x200xi32, #tpu.memory_space<hbm>> -> memref<50x200xi32, #tpu.memory_space<hbm>>
      tpu.wait_dma2 semaphore(%arg11 : memref<!tpu.dma_semaphore, #tpu.memory_space<semaphore_mem>>) src(%dma_wait3A_72 : memref<50x200xi32, #tpu.memory_space<hbm>>) dst(%dma_wait3A_70 : memref<50x200xi32, #tpu.memory_space<vmem>>)
    } else {
    }
    %mul3A_19 = arith.constant 625 : i32
    %mul3A_20 = arith.muli %arg1, %mul3A_19 : i32
    %dma_wait3A = arith.constant 0 : i32
    %dma_wait3A_21 = tpu.memref_slice %arg10[%mul3A_20, %dma_wait3A] : memref<10000x128xf32, #tpu.memory_space<vmem_shared>> -> memref<625x128xf32, #tpu.memory_space<vmem_shared>>
    tpu.wait_dma2 semaphore(%arg11 : memref<!tpu.dma_semaphore, #tpu.memory_space<semaphore_mem>>) src(%arg4 : memref<625x128xf32, #tpu.memory_space<hbm>>) dst(%dma_wait3A_21 : memref<625x128xf32, #tpu.memory_space<vmem_shared>>)
    %barrier3A = arith.constant 0 : index
    tpu.barrier barrier_id(%barrier3A)
    %eq3A_22 = arith.constant 0 : i32
    %eq3A_23 = arith.cmpi eq, %arg0, %eq3A_22 : i32
    %jit3A = arith.constant 50 : i32
    %jit3A_24 = arith.constant 50 : i32
    %select_n3A = arith.select %eq3A_23, %jit3A, %jit3A_24 : i32
    %sub3A = arith.constant 0 : i32
    %sub3A_25 = arith.subi %select_n3A, %sub3A : i32
    %sub3A_26 = arith.constant 1 : i32
    %sub3A_27 = arith.constant 1 : i32
    %sub3A_28 = arith.subi %sub3A_26, %sub3A_27 : i32
    %add3A = arith.addi %sub3A_25, %sub3A_28 : i32
    %div3A = arith.constant 1 : i32
    %div3A_29 = arith.divsi %add3A, %div3A : i32
    %while3A = arith.constant 1 : i32
    %while3A_30 = arith.constant 0 : i32
    %while3A_31 = arith.constant 0 : i32
    %while3A_32 = arith.subi %div3A_29, %while3A_31 : i32
    %while3A_33 = arith.addi %while3A_31, %while3A_32 : i32
    %while3A_34 = arith.constant 1 : i32
    %while3A_35 = arith.divsi %while3A_32, %while3A_34 : i32
    %while3A_36 = arith.muli %while3A_35, %while3A_34 : i32
    %while3A_37 = arith.addi %while3A_31, %while3A_36 : i32
    %while3A_38 = arith.constant 1 : i32
    scf.for %while3A_45 = %while3A_31 to %while3A_37 step %while3A_38  : i32 {
      %mul3A_46 = arith.muli %while3A_45, %while3A : i32
      %add3A_47 = arith.addi %while3A_30, %mul3A_46 : i32
      %dma_start3A_48 = arith.constant 0 : i32
      %dma_start3A_49 = tpu.memref_slice %arg7[%add3A_47, %dma_start3A_48] : memref<50x200xi32, #tpu.memory_space<vmem>> -> memref<1x200xi32, #tpu.memory_space<vmem>>
      %dma_start3A_50 = tpu.memref_squeeze %dma_start3A_49 : memref<1x200xi32, #tpu.memory_space<vmem>> -> memref<200xi32, #tpu.memory_space<vmem>>
      %dma_start3A_51 = arith.constant 0 : i32
      %dma_start3A_52 = arith.constant 0 : i32
      %dma_start3A_53 = tpu.memref_slice %arg5[%dma_start3A_51, %dma_start3A_52] : memref<10000x128xf32, #tpu.memory_space<hbm>> -> memref<10000x128xf32, #tpu.memory_space<hbm>>
      tpu.enqueue_indirect_dma source(%dma_start3A_53 : memref<10000x128xf32, #tpu.memory_space<hbm>>) target(%arg9 : memref<200x128xf32, #tpu.memory_space<vmem>>) offsets(%dma_start3A_50 : memref<200xi32, #tpu.memory_space<vmem>>) semaphore(%arg11 : memref<!tpu.dma_semaphore, #tpu.memory_space<semaphore_mem>>)
      %dma_wait3A_54 = arith.constant 0 : i32
      %dma_wait3A_55 = tpu.memref_slice %arg7[%add3A_47, %dma_wait3A_54] : memref<50x200xi32, #tpu.memory_space<vmem>> -> memref<1x200xi32, #tpu.memory_space<vmem>>
      %dma_wait3A_56 = tpu.memref_squeeze %dma_wait3A_55 : memref<1x200xi32, #tpu.memory_space<vmem>> -> memref<200xi32, #tpu.memory_space<vmem>>
      %dma_wait3A_57 = arith.constant 0 : i32
      %dma_wait3A_58 = arith.constant 0 : i32
      %dma_wait3A_59 = tpu.memref_slice %arg5[%dma_wait3A_57, %dma_wait3A_58] : memref<10000x128xf32, #tpu.memory_space<hbm>> -> memref<10000x128xf32, #tpu.memory_space<hbm>>
      tpu.wait_indirect_dma semaphore(%arg11 : memref<!tpu.dma_semaphore, #tpu.memory_space<semaphore_mem>>) src(%dma_wait3A_59 : memref<10000x128xf32, #tpu.memory_space<hbm>>) dst(%arg9 : memref<200x128xf32, #tpu.memory_space<vmem>>)
      "tpu.region"() ({
        %run_scoped3A = tpu.sem_alloc : memref<!tpu.dma_semaphore, #tpu.memory_space<semaphore_mem>>
        %dma_start3A_60 = arith.constant 0 : i32
        %dma_start3A_61 = tpu.memref_slice %arg8[%add3A_47, %dma_start3A_60] : memref<50x200xi32, #tpu.memory_space<vmem>> -> memref<1x200xi32, #tpu.memory_space<vmem>>
        %dma_start3A_62 = tpu.memref_squeeze %dma_start3A_61 : memref<1x200xi32, #tpu.memory_space<vmem>> -> memref<200xi32, #tpu.memory_space<vmem>>
        %dma_start3A_63 = arith.constant 0 : i32
        %dma_start3A_64 = arith.constant 0 : i32
        %dma_start3A_65 = tpu.memref_slice %arg10[%dma_start3A_63, %dma_start3A_64] : memref<10000x128xf32, #tpu.memory_space<vmem_shared>> -> memref<10000x128xf32, #tpu.memory_space<vmem_shared>>
        tpu.enqueue_indirect_dma source(%arg9 : memref<200x128xf32, #tpu.memory_space<vmem>>) target(%dma_start3A_65 : memref<10000x128xf32, #tpu.memory_space<vmem_shared>>) offsets(%dma_start3A_62 : memref<200xi32, #tpu.memory_space<vmem>>) semaphore(%run_scoped3A : memref<!tpu.dma_semaphore, #tpu.memory_space<semaphore_mem>>) {add = true}
        %dma_wait3A_66 = arith.constant 0 : i32
        %dma_wait3A_67 = tpu.memref_slice %arg8[%add3A_47, %dma_wait3A_66] : memref<50x200xi32, #tpu.memory_space<vmem>> -> memref<1x200xi32, #tpu.memory_space<vmem>>
        %dma_wait3A_68 = tpu.memref_squeeze %dma_wait3A_67 : memref<1x200xi32, #tpu.memory_space<vmem>> -> memref<200xi32, #tpu.memory_space<vmem>>
        %dma_wait3A_69 = arith.constant 0 : i32
        %dma_wait3A_70 = arith.constant 0 : i32
        %dma_wait3A_71 = tpu.memref_slice %arg10[%dma_wait3A_69, %dma_wait3A_70] : memref<10000x128xf32, #tpu.memory_space<vmem_shared>> -> memref<10000x128xf32, #tpu.memory_space<vmem_shared>>
        tpu.wait_indirect_dma semaphore(%run_scoped3A : memref<!tpu.dma_semaphore, #tpu.memory_space<semaphore_mem>>) src(%arg9 : memref<200x128xf32, #tpu.memory_space<vmem>>) dst(%dma_wait3A_71 : memref<10000x128xf32, #tpu.memory_space<vmem_shared>>)
        tpu.yield
      }) : () -> ()
    }
    %while3A_39 = arith.constant 1 : i32
    scf.for %while3A_45 = %while3A_37 to %while3A_33 step %while3A_39  : i32 {
      %mul3A_46 = arith.muli %while3A_45, %while3A : i32
      %add3A_47 = arith.addi %while3A_30, %mul3A_46 : i32
      %dma_start3A_48 = arith.constant 0 : i32
      %dma_start3A_49 = tpu.memref_slice %arg7[%add3A_47, %dma_start3A_48] : memref<50x200xi32, #tpu.memory_space<vmem>> -> memref<1x200xi32, #tpu.memory_space<vmem>>
      %dma_start3A_50 = tpu.memref_squeeze %dma_start3A_49 : memref<1x200xi32, #tpu.memory_space<vmem>> -> memref<200xi32, #tpu.memory_space<vmem>>
      %dma_start3A_51 = arith.constant 0 : i32
      %dma_start3A_52 = arith.constant 0 : i32
      %dma_start3A_53 = tpu.memref_slice %arg5[%dma_start3A_51, %dma_start3A_52] : memref<10000x128xf32, #tpu.memory_space<hbm>> -> memref<10000x128xf32, #tpu.memory_space<hbm>>
      tpu.enqueue_indirect_dma source(%dma_start3A_53 : memref<10000x128xf32, #tpu.memory_space<hbm>>) target(%arg9 : memref<200x128xf32, #tpu.memory_space<vmem>>) offsets(%dma_start3A_50 : memref<200xi32, #tpu.memory_space<vmem>>) semaphore(%arg11 : memref<!tpu.dma_semaphore, #tpu.memory_space<semaphore_mem>>)
      %dma_wait3A_54 = arith.constant 0 : i32
      %dma_wait3A_55 = tpu.memref_slice %arg7[%add3A_47, %dma_wait3A_54] : memref<50x200xi32, #tpu.memory_space<vmem>> -> memref<1x200xi32, #tpu.memory_space<vmem>>
      %dma_wait3A_56 = tpu.memref_squeeze %dma_wait3A_55 : memref<1x200xi32, #tpu.memory_space<vmem>> -> memref<200xi32, #tpu.memory_space<vmem>>
      %dma_wait3A_57 = arith.constant 0 : i32
      %dma_wait3A_58 = arith.constant 0 : i32
      %dma_wait3A_59 = tpu.memref_slice %arg5[%dma_wait3A_57, %dma_wait3A_58] : memref<10000x128xf32, #tpu.memory_space<hbm>> -> memref<10000x128xf32, #tpu.memory_space<hbm>>
      tpu.wait_indirect_dma semaphore(%arg11 : memref<!tpu.dma_semaphore, #tpu.memory_space<semaphore_mem>>) src(%dma_wait3A_59 : memref<10000x128xf32, #tpu.memory_space<hbm>>) dst(%arg9 : memref<200x128xf32, #tpu.memory_space<vmem>>)
      "tpu.region"() ({
        %run_scoped3A = tpu.sem_alloc : memref<!tpu.dma_semaphore, #tpu.memory_space<semaphore_mem>>
        %dma_start3A_60 = arith.constant 0 : i32
        %dma_start3A_61 = tpu.memref_slice %arg8[%add3A_47, %dma_start3A_60] : memref<50x200xi32, #tpu.memory_space<vmem>> -> memref<1x200xi32, #tpu.memory_space<vmem>>
        %dma_start3A_62 = tpu.memref_squeeze %dma_start3A_61 : memref<1x200xi32, #tpu.memory_space<vmem>> -> memref<200xi32, #tpu.memory_space<vmem>>
        %dma_start3A_63 = arith.constant 0 : i32
        %dma_start3A_64 = arith.constant 0 : i32
        %dma_start3A_65 = tpu.memref_slice %arg10[%dma_start3A_63, %dma_start3A_64] : memref<10000x128xf32, #tpu.memory_space<vmem_shared>> -> memref<10000x128xf32, #tpu.memory_space<vmem_shared>>
        tpu.enqueue_indirect_dma source(%arg9 : memref<200x128xf32, #tpu.memory_space<vmem>>) target(%dma_start3A_65 : memref<10000x128xf32, #tpu.memory_space<vmem_shared>>) offsets(%dma_start3A_62 : memref<200xi32, #tpu.memory_space<vmem>>) semaphore(%run_scoped3A : memref<!tpu.dma_semaphore, #tpu.memory_space<semaphore_mem>>) {add = true}
        %dma_wait3A_66 = arith.constant 0 : i32
        %dma_wait3A_67 = tpu.memref_slice %arg8[%add3A_47, %dma_wait3A_66] : memref<50x200xi32, #tpu.memory_space<vmem>> -> memref<1x200xi32, #tpu.memory_space<vmem>>
        %dma_wait3A_68 = tpu.memref_squeeze %dma_wait3A_67 : memref<1x200xi32, #tpu.memory_space<vmem>> -> memref<200xi32, #tpu.memory_space<vmem>>
        %dma_wait3A_69 = arith.constant 0 : i32
        %dma_wait3A_70 = arith.constant 0 : i32
        %dma_wait3A_71 = tpu.memref_slice %arg10[%dma_wait3A_69, %dma_wait3A_70] : memref<10000x128xf32, #tpu.memory_space<vmem_shared>> -> memref<10000x128xf32, #tpu.memory_space<vmem_shared>>
        tpu.wait_indirect_dma semaphore(%run_scoped3A : memref<!tpu.dma_semaphore, #tpu.memory_space<semaphore_mem>>) src(%arg9 : memref<200x128xf32, #tpu.memory_space<vmem>>) dst(%dma_wait3A_71 : memref<10000x128xf32, #tpu.memory_space<vmem_shared>>)
        tpu.yield
      }) : () -> ()
    }
    %barrier3A_40 = arith.constant 0 : index
    tpu.barrier barrier_id(%barrier3A_40)
    %mul3A_41 = arith.constant 625 : i32
    %mul3A_42 = arith.muli %arg1, %mul3A_41 : i32
    %mul3A_43 = arith.constant 625 : i32
    %mul3A_44 = arith.muli %arg1, %mul3A_43 : i32
    "tpu.region"() ({
      %run_scoped3A = tpu.sem_alloc : memref<!tpu.dma_semaphore, #tpu.memory_space<semaphore_mem>>
      %dma_start3A_45 = arith.constant 0 : i32
      %dma_start3A_46 = tpu.memref_slice %arg6[%arg0, %mul3A_44, %dma_start3A_45] : memref<2x10000x128xf32, #tpu.memory_space<hbm>> -> memref<1x625x128xf32, #tpu.memory_space<hbm>>
      %dma_start3A_47 = tpu.memref_squeeze %dma_start3A_46 : memref<1x625x128xf32, #tpu.memory_space<hbm>> -> memref<625x128xf32, #tpu.memory_space<hbm>>
      %dma_start3A_48 = arith.constant 0 : i32
      %dma_start3A_49 = tpu.memref_slice %arg10[%mul3A_42, %dma_start3A_48] : memref<10000x128xf32, #tpu.memory_space<vmem_shared>> -> memref<625x128xf32, #tpu.memory_space<vmem_shared>>
      tpu.enqueue_dma source(%dma_start3A_49 : memref<625x128xf32, #tpu.memory_space<vmem_shared>>) target(%dma_start3A_47 : memref<625x128xf32, #tpu.memory_space<hbm>>) target_semaphore(%run_scoped3A : memref<!tpu.dma_semaphore, #tpu.memory_space<semaphore_mem>>)
      %dma_wait3A_50 = arith.constant 0 : i32
      %dma_wait3A_51 = tpu.memref_slice %arg6[%arg0, %mul3A_44, %dma_wait3A_50] : memref<2x10000x128xf32, #tpu.memory_space<hbm>> -> memref<1x625x128xf32, #tpu.memory_space<hbm>>
      %dma_wait3A_52 = tpu.memref_squeeze %dma_wait3A_51 : memref<1x625x128xf32, #tpu.memory_space<hbm>> -> memref<625x128xf32, #tpu.memory_space<hbm>>
      %dma_wait3A_53 = arith.constant 0 : i32
      %dma_wait3A_54 = tpu.memref_slice %arg10[%mul3A_42, %dma_wait3A_53] : memref<10000x128xf32, #tpu.memory_space<vmem_shared>> -> memref<625x128xf32, #tpu.memory_space<vmem_shared>>
      tpu.wait_dma2 semaphore(%run_scoped3A : memref<!tpu.dma_semaphore, #tpu.memory_space<semaphore_mem>>) src(%dma_wait3A_54 : memref<625x128xf32, #tpu.memory_space<vmem_shared>>) dst(%dma_wait3A_52 : memref<625x128xf32, #tpu.memory_space<hbm>>)
      tpu.yield
    }) : () -> ()
    return
  }
}

#map = affine_map<(d0, d1) -> (0, 0)>
#map1 = affine_map<(d0, d1) -> (0, 0, 0)>
module attributes {stable_mosaic.version = 14 : i64} {
  func.func @msgpass(%arg0: i32, %arg1: i32, %arg2: memref<1600x200xi32, #tpu.memory_space<hbm>>, %arg3: memref<1600x200xi32, #tpu.memory_space<hbm>>, %arg4: memref<625x128xf32, #tpu.memory_space<hbm>>, %arg5: memref<10000x128xf32, #tpu.memory_space<hbm>>, %arg6: memref<2x10000x128xf32, #tpu.memory_space<hbm>>, %arg7: memref<50x200xi32, #tpu.memory_space<vmem>>, %arg8: memref<50x200xi32, #tpu.memory_space<vmem>>, %arg9: memref<200x128xf32, #tpu.memory_space<vmem>>, %arg10: memref<10000x128xf32, #tpu.memory_space<vmem_shared>>, %arg11: memref<!tpu.dma_semaphore, #tpu.memory_space<semaphore_mem>>) attributes {dimension_semantics = [#tpu.dimension_semantics<core_parallel>, #tpu.dimension_semantics<subcore_parallel>], iteration_bounds = array<i64: 2, 16>, scalar_prefetch = 0 : i64, scratch_operands = 5 : i64, tpu.core_type = #tpu.core_type<sc_vector_subcore>, window_params = [{transform_indices = #map}, {transform_indices = #map}, {transform_indices = #map}, {transform_indices = #map}, {transform_indices = #map1}]} {
    %eq3A = arith.constant 0 : i32
    %eq3A_0 = arith.cmpi eq, %arg0, %eq3A : i32
    %convert_element_type3A = arith.extui %eq3A_0 : i1 to i32
    %cond3A = arith.constant 0 : i32
    %cond3A_1 = arith.cmpi ne, %convert_element_type3A, %cond3A : i32
    scf.if %cond3A_1 {
      %mul3A_45 = arith.constant 50 : i32
      %mul3A_46 = arith.muli %arg1, %mul3A_45 : i32
      %dma_start3A_47 = arith.constant 0 : i32
      %dma_start3A_48 = arith.constant 0 : i32
      %dma_start3A_49 = tpu.memref_slice %arg7[%dma_start3A_47, %dma_start3A_48] : memref<50x200xi32, #tpu.memory_space<vmem>> -> memref<50x200xi32, #tpu.memory_space<vmem>>
      %dma_start3A_50 = arith.constant 0 : i32
      %dma_start3A_51 = tpu.memref_slice %arg2[%mul3A_46, %dma_start3A_50] : memref<1600x200xi32, #tpu.memory_space<hbm>> -> memref<50x200xi32, #tpu.memory_space<hbm>>
      %dma_start3A_52 = arith.constant 0 : i32
      %dma_start3A_53 = arith.constant 0 : i32
      %dma_start3A_54 = tpu.memref_slice %arg7[%dma_start3A_52, %dma_start3A_53] : memref<50x200xi32, #tpu.memory_space<vmem>> -> memref<50x200xi32, #tpu.memory_space<vmem>>
      %dma_start3A_55 = arith.constant 0 : i32
      %dma_start3A_56 = tpu.memref_slice %arg2[%mul3A_46, %dma_start3A_55] : memref<1600x200xi32, #tpu.memory_space<hbm>> -> memref<50x200xi32, #tpu.memory_space<hbm>>
      tpu.enqueue_dma source(%dma_start3A_56 : memref<50x200xi32, #tpu.memory_space<hbm>>) target(%dma_start3A_54 : memref<50x200xi32, #tpu.memory_space<vmem>>) target_semaphore(%arg11 : memref<!tpu.dma_semaphore, #tpu.memory_space<semaphore_mem>>)
      %mul3A_57 = arith.constant 50 : i32
      %mul3A_58 = arith.muli %arg1, %mul3A_57 : i32
      %dma_start3A_59 = arith.constant 0 : i32
      %dma_start3A_60 = arith.constant 0 : i32
      %dma_start3A_61 = tpu.memref_slice %arg8[%dma_start3A_59, %dma_start3A_60] : memref<50x200xi32, #tpu.memory_space<vmem>> -> memref<50x200xi32, #tpu.memory_space<vmem>>
      %dma_start3A_62 = arith.constant 0 : i32
      %dma_start3A_63 = tpu.memref_slice %arg3[%mul3A_58, %dma_start3A_62] : memref<1600x200xi32, #tpu.memory_space<hbm>> -> memref<50x200xi32, #tpu.memory_space<hbm>>
      %dma_start3A_64 = arith.constant 0 : i32
      %dma_start3A_65 = arith.constant 0 : i32
      %dma_start3A_66 = tpu.memref_slice %arg8[%dma_start3A_64, %dma_start3A_65] : memref<50x200xi32, #tpu.memory_space<vmem>> -> memref<50x200xi32, #tpu.memory_space<vmem>>
      %dma_start3A_67 = arith.constant 0 : i32
      %dma_start3A_68 = tpu.memref_slice %arg3[%mul3A_58, %dma_start3A_67] : memref<1600x200xi32, #tpu.memory_space<hbm>> -> memref<50x200xi32, #tpu.memory_space<hbm>>
      tpu.enqueue_dma source(%dma_start3A_68 : memref<50x200xi32, #tpu.memory_space<hbm>>) target(%dma_start3A_66 : memref<50x200xi32, #tpu.memory_space<vmem>>) target_semaphore(%arg11 : memref<!tpu.dma_semaphore, #tpu.memory_space<semaphore_mem>>)
    } else {
    }
    %eq3A_2 = arith.constant 1 : i32
    %eq3A_3 = arith.cmpi eq, %arg0, %eq3A_2 : i32
    %convert_element_type3A_4 = arith.extui %eq3A_3 : i1 to i32
    %cond3A_5 = arith.constant 0 : i32
    %cond3A_6 = arith.cmpi ne, %convert_element_type3A_4, %cond3A_5 : i32
    scf.if %cond3A_6 {
      %mul3A_45 = arith.constant 50 : i32
      %mul3A_46 = arith.muli %arg1, %mul3A_45 : i32
      %add3A_47 = arith.constant 800 : i32
      %add3A_48 = arith.addi %add3A_47, %mul3A_46 : i32
      %dma_start3A_49 = arith.constant 0 : i32
      %dma_start3A_50 = arith.constant 0 : i32
      %dma_start3A_51 = tpu.memref_slice %arg7[%dma_start3A_49, %dma_start3A_50] : memref<50x200xi32, #tpu.memory_space<vmem>> -> memref<50x200xi32, #tpu.memory_space<vmem>>
      %dma_start3A_52 = arith.constant 0 : i32
      %dma_start3A_53 = tpu.memref_slice %arg2[%add3A_48, %dma_start3A_52] : memref<1600x200xi32, #tpu.memory_space<hbm>> -> memref<50x200xi32, #tpu.memory_space<hbm>>
      %dma_start3A_54 = arith.constant 0 : i32
      %dma_start3A_55 = arith.constant 0 : i32
      %dma_start3A_56 = tpu.memref_slice %arg7[%dma_start3A_54, %dma_start3A_55] : memref<50x200xi32, #tpu.memory_space<vmem>> -> memref<50x200xi32, #tpu.memory_space<vmem>>
      %dma_start3A_57 = arith.constant 0 : i32
      %dma_start3A_58 = tpu.memref_slice %arg2[%add3A_48, %dma_start3A_57] : memref<1600x200xi32, #tpu.memory_space<hbm>> -> memref<50x200xi32, #tpu.memory_space<hbm>>
      tpu.enqueue_dma source(%dma_start3A_58 : memref<50x200xi32, #tpu.memory_space<hbm>>) target(%dma_start3A_56 : memref<50x200xi32, #tpu.memory_space<vmem>>) target_semaphore(%arg11 : memref<!tpu.dma_semaphore, #tpu.memory_space<semaphore_mem>>)
      %mul3A_59 = arith.constant 50 : i32
      %mul3A_60 = arith.muli %arg1, %mul3A_59 : i32
      %add3A_61 = arith.constant 800 : i32
      %add3A_62 = arith.addi %add3A_61, %mul3A_60 : i32
      %dma_start3A_63 = arith.constant 0 : i32
      %dma_start3A_64 = arith.constant 0 : i32
      %dma_start3A_65 = tpu.memref_slice %arg8[%dma_start3A_63, %dma_start3A_64] : memref<50x200xi32, #tpu.memory_space<vmem>> -> memref<50x200xi32, #tpu.memory_space<vmem>>
      %dma_start3A_66 = arith.constant 0 : i32
      %dma_start3A_67 = tpu.memref_slice %arg3[%add3A_62, %dma_start3A_66] : memref<1600x200xi32, #tpu.memory_space<hbm>> -> memref<50x200xi32, #tpu.memory_space<hbm>>
      %dma_start3A_68 = arith.constant 0 : i32
      %dma_start3A_69 = arith.constant 0 : i32
      %dma_start3A_70 = tpu.memref_slice %arg8[%dma_start3A_68, %dma_start3A_69] : memref<50x200xi32, #tpu.memory_space<vmem>> -> memref<50x200xi32, #tpu.memory_space<vmem>>
      %dma_start3A_71 = arith.constant 0 : i32
      %dma_start3A_72 = tpu.memref_slice %arg3[%add3A_62, %dma_start3A_71] : memref<1600x200xi32, #tpu.memory_space<hbm>> -> memref<50x200xi32, #tpu.memory_space<hbm>>
      tpu.enqueue_dma source(%dma_start3A_72 : memref<50x200xi32, #tpu.memory_space<hbm>>) target(%dma_start3A_70 : memref<50x200xi32, #tpu.memory_space<vmem>>) target_semaphore(%arg11 : memref<!tpu.dma_semaphore, #tpu.memory_space<semaphore_mem>>)
    } else {
    }
    %mul3A = arith.constant 625 : i32
    %mul3A_7 = arith.muli %arg1, %mul3A : i32
    %dma_start3A = arith.constant 0 : i32
    %dma_start3A_8 = tpu.memref_slice %arg10[%mul3A_7, %dma_start3A] : memref<10000x128xf32, #tpu.memory_space<vmem_shared>> -> memref<625x128xf32, #tpu.memory_space<vmem_shared>>
    tpu.enqueue_dma source(%arg4 : memref<625x128xf32, #tpu.memory_space<hbm>>) target(%dma_start3A_8 : memref<625x128xf32, #tpu.memory_space<vmem_shared>>) target_semaphore(%arg11 : memref<!tpu.dma_semaphore, #tpu.memory_space<semaphore_mem>>)
    %eq3A_9 = arith.constant 0 : i32
    %eq3A_10 = arith.cmpi eq, %arg0, %eq3A_9 : i32
    %convert_element_type3A_11 = arith.extui %eq3A_10 : i1 to i32
    %cond3A_12 = arith.constant 0 : i32
    %cond3A_13 = arith.cmpi ne, %convert_element_type3A_11, %cond3A_12 : i32
    scf.if %cond3A_13 {
      %mul3A_45 = arith.constant 50 : i32
      %mul3A_46 = arith.muli %arg1, %mul3A_45 : i32
      %dma_wait3A_47 = arith.constant 0 : i32
      %dma_wait3A_48 = arith.constant 0 : i32
      %dma_wait3A_49 = tpu.memref_slice %arg7[%dma_wait3A_47, %dma_wait3A_48] : memref<50x200xi32, #tpu.memory_space<vmem>> -> memref<50x200xi32, #tpu.memory_space<vmem>>
      %dma_wait3A_50 = arith.constant 0 : i32
      %dma_wait3A_51 = tpu.memref_slice %arg2[%mul3A_46, %dma_wait3A_50] : memref<1600x200xi32, #tpu.memory_space<hbm>> -> memref<50x200xi32, #tpu.memory_space<hbm>>
      %dma_wait3A_52 = arith.constant 0 : i32
      %dma_wait3A_53 = arith.constant 0 : i32
      %dma_wait3A_54 = tpu.memref_slice %arg7[%dma_wait3A_52, %dma_wait3A_53] : memref<50x200xi32, #tpu.memory_space<vmem>> -> memref<50x200xi32, #tpu.memory_space<vmem>>
      %dma_wait3A_55 = arith.constant 0 : i32
      %dma_wait3A_56 = tpu.memref_slice %arg2[%mul3A_46, %dma_wait3A_55] : memref<1600x200xi32, #tpu.memory_space<hbm>> -> memref<50x200xi32, #tpu.memory_space<hbm>>
      tpu.wait_dma2 semaphore(%arg11 : memref<!tpu.dma_semaphore, #tpu.memory_space<semaphore_mem>>) src(%dma_wait3A_56 : memref<50x200xi32, #tpu.memory_space<hbm>>) dst(%dma_wait3A_54 : memref<50x200xi32, #tpu.memory_space<vmem>>)
      %mul3A_57 = arith.constant 50 : i32
      %mul3A_58 = arith.muli %arg1, %mul3A_57 : i32
      %dma_wait3A_59 = arith.constant 0 : i32
      %dma_wait3A_60 = arith.constant 0 : i32
      %dma_wait3A_61 = tpu.memref_slice %arg8[%dma_wait3A_59, %dma_wait3A_60] : memref<50x200xi32, #tpu.memory_space<vmem>> -> memref<50x200xi32, #tpu.memory_space<vmem>>
      %dma_wait3A_62 = arith.constant 0 : i32
      %dma_wait3A_63 = tpu.memref_slice %arg3[%mul3A_58, %dma_wait3A_62] : memref<1600x200xi32, #tpu.memory_space<hbm>> -> memref<50x200xi32, #tpu.memory_space<hbm>>
      %dma_wait3A_64 = arith.constant 0 : i32
      %dma_wait3A_65 = arith.constant 0 : i32
      %dma_wait3A_66 = tpu.memref_slice %arg8[%dma_wait3A_64, %dma_wait3A_65] : memref<50x200xi32, #tpu.memory_space<vmem>> -> memref<50x200xi32, #tpu.memory_space<vmem>>
      %dma_wait3A_67 = arith.constant 0 : i32
      %dma_wait3A_68 = tpu.memref_slice %arg3[%mul3A_58, %dma_wait3A_67] : memref<1600x200xi32, #tpu.memory_space<hbm>> -> memref<50x200xi32, #tpu.memory_space<hbm>>
      tpu.wait_dma2 semaphore(%arg11 : memref<!tpu.dma_semaphore, #tpu.memory_space<semaphore_mem>>) src(%dma_wait3A_68 : memref<50x200xi32, #tpu.memory_space<hbm>>) dst(%dma_wait3A_66 : memref<50x200xi32, #tpu.memory_space<vmem>>)
    } else {
    }
    %eq3A_14 = arith.constant 1 : i32
    %eq3A_15 = arith.cmpi eq, %arg0, %eq3A_14 : i32
    %convert_element_type3A_16 = arith.extui %eq3A_15 : i1 to i32
    %cond3A_17 = arith.constant 0 : i32
    %cond3A_18 = arith.cmpi ne, %convert_element_type3A_16, %cond3A_17 : i32
    scf.if %cond3A_18 {
      %mul3A_45 = arith.constant 50 : i32
      %mul3A_46 = arith.muli %arg1, %mul3A_45 : i32
      %add3A_47 = arith.constant 800 : i32
      %add3A_48 = arith.addi %add3A_47, %mul3A_46 : i32
      %dma_wait3A_49 = arith.constant 0 : i32
      %dma_wait3A_50 = arith.constant 0 : i32
      %dma_wait3A_51 = tpu.memref_slice %arg7[%dma_wait3A_49, %dma_wait3A_50] : memref<50x200xi32, #tpu.memory_space<vmem>> -> memref<50x200xi32, #tpu.memory_space<vmem>>
      %dma_wait3A_52 = arith.constant 0 : i32
      %dma_wait3A_53 = tpu.memref_slice %arg2[%add3A_48, %dma_wait3A_52] : memref<1600x200xi32, #tpu.memory_space<hbm>> -> memref<50x200xi32, #tpu.memory_space<hbm>>
      %dma_wait3A_54 = arith.constant 0 : i32
      %dma_wait3A_55 = arith.constant 0 : i32
      %dma_wait3A_56 = tpu.memref_slice %arg7[%dma_wait3A_54, %dma_wait3A_55] : memref<50x200xi32, #tpu.memory_space<vmem>> -> memref<50x200xi32, #tpu.memory_space<vmem>>
      %dma_wait3A_57 = arith.constant 0 : i32
      %dma_wait3A_58 = tpu.memref_slice %arg2[%add3A_48, %dma_wait3A_57] : memref<1600x200xi32, #tpu.memory_space<hbm>> -> memref<50x200xi32, #tpu.memory_space<hbm>>
      tpu.wait_dma2 semaphore(%arg11 : memref<!tpu.dma_semaphore, #tpu.memory_space<semaphore_mem>>) src(%dma_wait3A_58 : memref<50x200xi32, #tpu.memory_space<hbm>>) dst(%dma_wait3A_56 : memref<50x200xi32, #tpu.memory_space<vmem>>)
      %mul3A_59 = arith.constant 50 : i32
      %mul3A_60 = arith.muli %arg1, %mul3A_59 : i32
      %add3A_61 = arith.constant 800 : i32
      %add3A_62 = arith.addi %add3A_61, %mul3A_60 : i32
      %dma_wait3A_63 = arith.constant 0 : i32
      %dma_wait3A_64 = arith.constant 0 : i32
      %dma_wait3A_65 = tpu.memref_slice %arg8[%dma_wait3A_63, %dma_wait3A_64] : memref<50x200xi32, #tpu.memory_space<vmem>> -> memref<50x200xi32, #tpu.memory_space<vmem>>
      %dma_wait3A_66 = arith.constant 0 : i32
      %dma_wait3A_67 = tpu.memref_slice %arg3[%add3A_62, %dma_wait3A_66] : memref<1600x200xi32, #tpu.memory_space<hbm>> -> memref<50x200xi32, #tpu.memory_space<hbm>>
      %dma_wait3A_68 = arith.constant 0 : i32
      %dma_wait3A_69 = arith.constant 0 : i32
      %dma_wait3A_70 = tpu.memref_slice %arg8[%dma_wait3A_68, %dma_wait3A_69] : memref<50x200xi32, #tpu.memory_space<vmem>> -> memref<50x200xi32, #tpu.memory_space<vmem>>
      %dma_wait3A_71 = arith.constant 0 : i32
      %dma_wait3A_72 = tpu.memref_slice %arg3[%add3A_62, %dma_wait3A_71] : memref<1600x200xi32, #tpu.memory_space<hbm>> -> memref<50x200xi32, #tpu.memory_space<hbm>>
      tpu.wait_dma2 semaphore(%arg11 : memref<!tpu.dma_semaphore, #tpu.memory_space<semaphore_mem>>) src(%dma_wait3A_72 : memref<50x200xi32, #tpu.memory_space<hbm>>) dst(%dma_wait3A_70 : memref<50x200xi32, #tpu.memory_space<vmem>>)
    } else {
    }
    %mul3A_19 = arith.constant 625 : i32
    %mul3A_20 = arith.muli %arg1, %mul3A_19 : i32
    %dma_wait3A = arith.constant 0 : i32
    %dma_wait3A_21 = tpu.memref_slice %arg10[%mul3A_20, %dma_wait3A] : memref<10000x128xf32, #tpu.memory_space<vmem_shared>> -> memref<625x128xf32, #tpu.memory_space<vmem_shared>>
    tpu.wait_dma2 semaphore(%arg11 : memref<!tpu.dma_semaphore, #tpu.memory_space<semaphore_mem>>) src(%arg4 : memref<625x128xf32, #tpu.memory_space<hbm>>) dst(%dma_wait3A_21 : memref<625x128xf32, #tpu.memory_space<vmem_shared>>)
    %barrier3A = arith.constant 0 : index
    tpu.barrier barrier_id(%barrier3A)
    %eq3A_22 = arith.constant 0 : i32
    %eq3A_23 = arith.cmpi eq, %arg0, %eq3A_22 : i32
    %jit3A = arith.constant 50 : i32
    %jit3A_24 = arith.constant 50 : i32
    %select_n3A = arith.select %eq3A_23, %jit3A, %jit3A_24 : i32
    %sub3A = arith.constant 0 : i32
    %sub3A_25 = arith.subi %select_n3A, %sub3A : i32
    %sub3A_26 = arith.constant 1 : i32
    %sub3A_27 = arith.constant 1 : i32
    %sub3A_28 = arith.subi %sub3A_26, %sub3A_27 : i32
    %add3A = arith.addi %sub3A_25, %sub3A_28 : i32
    %div3A = arith.constant 1 : i32
    %div3A_29 = arith.divsi %add3A, %div3A : i32
    %while3A = arith.constant 1 : i32
    %while3A_30 = arith.constant 0 : i32
    %while3A_31 = arith.constant 0 : i32
    %while3A_32 = arith.subi %div3A_29, %while3A_31 : i32
    %while3A_33 = arith.addi %while3A_31, %while3A_32 : i32
    %while3A_34 = arith.constant 1 : i32
    %while3A_35 = arith.divsi %while3A_32, %while3A_34 : i32
    %while3A_36 = arith.muli %while3A_35, %while3A_34 : i32
    %while3A_37 = arith.addi %while3A_31, %while3A_36 : i32
    %while3A_38 = arith.constant 1 : i32
    scf.for %while3A_45 = %while3A_31 to %while3A_37 step %while3A_38  : i32 {
      %mul3A_46 = arith.muli %while3A_45, %while3A : i32
      %add3A_47 = arith.addi %while3A_30, %mul3A_46 : i32
      %dma_start3A_48 = arith.constant 0 : i32
      %dma_start3A_49 = tpu.memref_slice %arg7[%add3A_47, %dma_start3A_48] : memref<50x200xi32, #tpu.memory_space<vmem>> -> memref<1x200xi32, #tpu.memory_space<vmem>>
      %dma_start3A_50 = tpu.memref_squeeze %dma_start3A_49 : memref<1x200xi32, #tpu.memory_space<vmem>> -> memref<200xi32, #tpu.memory_space<vmem>>
      %dma_start3A_51 = arith.constant 0 : i32
      %dma_start3A_52 = arith.constant 0 : i32
      %dma_start3A_53 = tpu.memref_slice %arg5[%dma_start3A_51, %dma_start3A_52] : memref<10000x128xf32, #tpu.memory_space<hbm>> -> memref<10000x128xf32, #tpu.memory_space<hbm>>
      tpu.enqueue_indirect_dma source(%dma_start3A_53 : memref<10000x128xf32, #tpu.memory_space<hbm>>) target(%arg9 : memref<200x128xf32, #tpu.memory_space<vmem>>) offsets(%dma_start3A_50 : memref<200xi32, #tpu.memory_space<vmem>>) semaphore(%arg11 : memref<!tpu.dma_semaphore, #tpu.memory_space<semaphore_mem>>)
      %dma_wait3A_54 = arith.constant 0 : i32
      %dma_wait3A_55 = tpu.memref_slice %arg7[%add3A_47, %dma_wait3A_54] : memref<50x200xi32, #tpu.memory_space<vmem>> -> memref<1x200xi32, #tpu.memory_space<vmem>>
      %dma_wait3A_56 = tpu.memref_squeeze %dma_wait3A_55 : memref<1x200xi32, #tpu.memory_space<vmem>> -> memref<200xi32, #tpu.memory_space<vmem>>
      %dma_wait3A_57 = arith.constant 0 : i32
      %dma_wait3A_58 = arith.constant 0 : i32
      %dma_wait3A_59 = tpu.memref_slice %arg5[%dma_wait3A_57, %dma_wait3A_58] : memref<10000x128xf32, #tpu.memory_space<hbm>> -> memref<10000x128xf32, #tpu.memory_space<hbm>>
      tpu.wait_indirect_dma semaphore(%arg11 : memref<!tpu.dma_semaphore, #tpu.memory_space<semaphore_mem>>) src(%dma_wait3A_59 : memref<10000x128xf32, #tpu.memory_space<hbm>>) dst(%arg9 : memref<200x128xf32, #tpu.memory_space<vmem>>)
      "tpu.region"() ({
        %run_scoped3A = tpu.sem_alloc : memref<!tpu.dma_semaphore, #tpu.memory_space<semaphore_mem>>
        %dma_start3A_60 = arith.constant 0 : i32
        %dma_start3A_61 = tpu.memref_slice %arg8[%add3A_47, %dma_start3A_60] : memref<50x200xi32, #tpu.memory_space<vmem>> -> memref<1x200xi32, #tpu.memory_space<vmem>>
        %dma_start3A_62 = tpu.memref_squeeze %dma_start3A_61 : memref<1x200xi32, #tpu.memory_space<vmem>> -> memref<200xi32, #tpu.memory_space<vmem>>
        %dma_start3A_63 = arith.constant 0 : i32
        %dma_start3A_64 = arith.constant 0 : i32
        %dma_start3A_65 = tpu.memref_slice %arg10[%dma_start3A_63, %dma_start3A_64] : memref<10000x128xf32, #tpu.memory_space<vmem_shared>> -> memref<10000x128xf32, #tpu.memory_space<vmem_shared>>
        tpu.enqueue_indirect_dma source(%arg9 : memref<200x128xf32, #tpu.memory_space<vmem>>) target(%dma_start3A_65 : memref<10000x128xf32, #tpu.memory_space<vmem_shared>>) offsets(%dma_start3A_62 : memref<200xi32, #tpu.memory_space<vmem>>) semaphore(%run_scoped3A : memref<!tpu.dma_semaphore, #tpu.memory_space<semaphore_mem>>) {add = true}
        %dma_wait3A_66 = arith.constant 0 : i32
        %dma_wait3A_67 = tpu.memref_slice %arg8[%add3A_47, %dma_wait3A_66] : memref<50x200xi32, #tpu.memory_space<vmem>> -> memref<1x200xi32, #tpu.memory_space<vmem>>
        %dma_wait3A_68 = tpu.memref_squeeze %dma_wait3A_67 : memref<1x200xi32, #tpu.memory_space<vmem>> -> memref<200xi32, #tpu.memory_space<vmem>>
        %dma_wait3A_69 = arith.constant 0 : i32
        %dma_wait3A_70 = arith.constant 0 : i32
        %dma_wait3A_71 = tpu.memref_slice %arg10[%dma_wait3A_69, %dma_wait3A_70] : memref<10000x128xf32, #tpu.memory_space<vmem_shared>> -> memref<10000x128xf32, #tpu.memory_space<vmem_shared>>
        tpu.wait_indirect_dma semaphore(%run_scoped3A : memref<!tpu.dma_semaphore, #tpu.memory_space<semaphore_mem>>) src(%arg9 : memref<200x128xf32, #tpu.memory_space<vmem>>) dst(%dma_wait3A_71 : memref<10000x128xf32, #tpu.memory_space<vmem_shared>>)
        tpu.yield
      }) : () -> ()
    }
    %while3A_39 = arith.constant 1 : i32
    scf.for %while3A_45 = %while3A_37 to %while3A_33 step %while3A_39  : i32 {
      %mul3A_46 = arith.muli %while3A_45, %while3A : i32
      %add3A_47 = arith.addi %while3A_30, %mul3A_46 : i32
      %dma_start3A_48 = arith.constant 0 : i32
      %dma_start3A_49 = tpu.memref_slice %arg7[%add3A_47, %dma_start3A_48] : memref<50x200xi32, #tpu.memory_space<vmem>> -> memref<1x200xi32, #tpu.memory_space<vmem>>
      %dma_start3A_50 = tpu.memref_squeeze %dma_start3A_49 : memref<1x200xi32, #tpu.memory_space<vmem>> -> memref<200xi32, #tpu.memory_space<vmem>>
      %dma_start3A_51 = arith.constant 0 : i32
      %dma_start3A_52 = arith.constant 0 : i32
      %dma_start3A_53 = tpu.memref_slice %arg5[%dma_start3A_51, %dma_start3A_52] : memref<10000x128xf32, #tpu.memory_space<hbm>> -> memref<10000x128xf32, #tpu.memory_space<hbm>>
      tpu.enqueue_indirect_dma source(%dma_start3A_53 : memref<10000x128xf32, #tpu.memory_space<hbm>>) target(%arg9 : memref<200x128xf32, #tpu.memory_space<vmem>>) offsets(%dma_start3A_50 : memref<200xi32, #tpu.memory_space<vmem>>) semaphore(%arg11 : memref<!tpu.dma_semaphore, #tpu.memory_space<semaphore_mem>>)
      %dma_wait3A_54 = arith.constant 0 : i32
      %dma_wait3A_55 = tpu.memref_slice %arg7[%add3A_47, %dma_wait3A_54] : memref<50x200xi32, #tpu.memory_space<vmem>> -> memref<1x200xi32, #tpu.memory_space<vmem>>
      %dma_wait3A_56 = tpu.memref_squeeze %dma_wait3A_55 : memref<1x200xi32, #tpu.memory_space<vmem>> -> memref<200xi32, #tpu.memory_space<vmem>>
      %dma_wait3A_57 = arith.constant 0 : i32
      %dma_wait3A_58 = arith.constant 0 : i32
      %dma_wait3A_59 = tpu.memref_slice %arg5[%dma_wait3A_57, %dma_wait3A_58] : memref<10000x128xf32, #tpu.memory_space<hbm>> -> memref<10000x128xf32, #tpu.memory_space<hbm>>
      tpu.wait_indirect_dma semaphore(%arg11 : memref<!tpu.dma_semaphore, #tpu.memory_space<semaphore_mem>>) src(%dma_wait3A_59 : memref<10000x128xf32, #tpu.memory_space<hbm>>) dst(%arg9 : memref<200x128xf32, #tpu.memory_space<vmem>>)
      "tpu.region"() ({
        %run_scoped3A = tpu.sem_alloc : memref<!tpu.dma_semaphore, #tpu.memory_space<semaphore_mem>>
        %dma_start3A_60 = arith.constant 0 : i32
        %dma_start3A_61 = tpu.memref_slice %arg8[%add3A_47, %dma_start3A_60] : memref<50x200xi32, #tpu.memory_space<vmem>> -> memref<1x200xi32, #tpu.memory_space<vmem>>
        %dma_start3A_62 = tpu.memref_squeeze %dma_start3A_61 : memref<1x200xi32, #tpu.memory_space<vmem>> -> memref<200xi32, #tpu.memory_space<vmem>>
        %dma_start3A_63 = arith.constant 0 : i32
        %dma_start3A_64 = arith.constant 0 : i32
        %dma_start3A_65 = tpu.memref_slice %arg10[%dma_start3A_63, %dma_start3A_64] : memref<10000x128xf32, #tpu.memory_space<vmem_shared>> -> memref<10000x128xf32, #tpu.memory_space<vmem_shared>>
        tpu.enqueue_indirect_dma source(%arg9 : memref<200x128xf32, #tpu.memory_space<vmem>>) target(%dma_start3A_65 : memref<10000x128xf32, #tpu.memory_space<vmem_shared>>) offsets(%dma_start3A_62 : memref<200xi32, #tpu.memory_space<vmem>>) semaphore(%run_scoped3A : memref<!tpu.dma_semaphore, #tpu.memory_space<semaphore_mem>>) {add = true}
        %dma_wait3A_66 = arith.constant 0 : i32
        %dma_wait3A_67 = tpu.memref_slice %arg8[%add3A_47, %dma_wait3A_66] : memref<50x200xi32, #tpu.memory_space<vmem>> -> memref<1x200xi32, #tpu.memory_space<vmem>>
        %dma_wait3A_68 = tpu.memref_squeeze %dma_wait3A_67 : memref<1x200xi32, #tpu.memory_space<vmem>> -> memref<200xi32, #tpu.memory_space<vmem>>
        %dma_wait3A_69 = arith.constant 0 : i32
        %dma_wait3A_70 = arith.constant 0 : i32
        %dma_wait3A_71 = tpu.memref_slice %arg10[%dma_wait3A_69, %dma_wait3A_70] : memref<10000x128xf32, #tpu.memory_space<vmem_shared>> -> memref<10000x128xf32, #tpu.memory_space<vmem_shared>>
        tpu.wait_indirect_dma semaphore(%run_scoped3A : memref<!tpu.dma_semaphore, #tpu.memory_space<semaphore_mem>>) src(%arg9 : memref<200x128xf32, #tpu.memory_space<vmem>>) dst(%dma_wait3A_71 : memref<10000x128xf32, #tpu.memory_space<vmem_shared>>)
        tpu.yield
      }) : () -> ()
    }
    %barrier3A_40 = arith.constant 0 : index
    tpu.barrier barrier_id(%barrier3A_40)
    %mul3A_41 = arith.constant 625 : i32
    %mul3A_42 = arith.muli %arg1, %mul3A_41 : i32
    %mul3A_43 = arith.constant 625 : i32
    %mul3A_44 = arith.muli %arg1, %mul3A_43 : i32
    "tpu.region"() ({
      %run_scoped3A = tpu.sem_alloc : memref<!tpu.dma_semaphore, #tpu.memory_space<semaphore_mem>>
      %dma_start3A_45 = arith.constant 0 : i32
      %dma_start3A_46 = tpu.memref_slice %arg6[%arg0, %mul3A_44, %dma_start3A_45] : memref<2x10000x128xf32, #tpu.memory_space<hbm>> -> memref<1x625x128xf32, #tpu.memory_space<hbm>>
      %dma_start3A_47 = tpu.memref_squeeze %dma_start3A_46 : memref<1x625x128xf32, #tpu.memory_space<hbm>> -> memref<625x128xf32, #tpu.memory_space<hbm>>
      %dma_start3A_48 = arith.constant 0 : i32
      %dma_start3A_49 = tpu.memref_slice %arg10[%mul3A_42, %dma_start3A_48] : memref<10000x128xf32, #tpu.memory_space<vmem_shared>> -> memref<625x128xf32, #tpu.memory_space<vmem_shared>>
      tpu.enqueue_dma source(%dma_start3A_49 : memref<625x128xf32, #tpu.memory_space<vmem_shared>>) target(%dma_start3A_47 : memref<625x128xf32, #tpu.memory_space<hbm>>) target_semaphore(%run_scoped3A : memref<!tpu.dma_semaphore, #tpu.memory_space<semaphore_mem>>)
      %dma_wait3A_50 = arith.constant 0 : i32
      %dma_wait3A_51 = tpu.memref_slice %arg6[%arg0, %mul3A_44, %dma_wait3A_50] : memref<2x10000x128xf32, #tpu.memory_space<hbm>> -> memref<1x625x128xf32, #tpu.memory_space<hbm>>
      %dma_wait3A_52 = tpu.memref_squeeze %dma_wait3A_51 : memref<1x625x128xf32, #tpu.memory_space<hbm>> -> memref<625x128xf32, #tpu.memory_space<hbm>>
      %dma_wait3A_53 = arith.constant 0 : i32
      %dma_wait3A_54 = tpu.memref_slice %arg10[%mul3A_42, %dma_wait3A_53] : memref<10000x128xf32, #tpu.memory_space<vmem_shared>> -> memref<625x128xf32, #tpu.memory_space<vmem_shared>>
      tpu.wait_dma2 semaphore(%run_scoped3A : memref<!tpu.dma_semaphore, #tpu.memory_space<semaphore_mem>>) src(%dma_wait3A_54 : memref<625x128xf32, #tpu.memory_space<vmem_shared>>) dst(%dma_wait3A_52 : memref<625x128xf32, #tpu.memory_space<hbm>>)
      tpu.yield
    }) : () -> ()
    return
  }
}

#map = affine_map<(d0, d1) -> (0, 0)>
#map1 = affine_map<(d0, d1) -> (0, 0, 0)>
module attributes {stable_mosaic.version = 14 : i64} {
  func.func @msgpass(%arg0: i32, %arg1: i32, %arg2: memref<320x1000xi32, #tpu.memory_space<hbm>>, %arg3: memref<320x1000xi32, #tpu.memory_space<hbm>>, %arg4: memref<625x48xf32, #tpu.memory_space<hbm>>, %arg5: memref<10000x48xf32, #tpu.memory_space<hbm>>, %arg6: memref<2x10000x48xf32, #tpu.memory_space<hbm>>, %arg7: memref<10x1000xi32, #tpu.memory_space<vmem>>, %arg8: memref<10x1000xi32, #tpu.memory_space<vmem>>, %arg9: memref<1000x48xf32, #tpu.memory_space<vmem>>, %arg10: memref<10000x48xf32, #tpu.memory_space<vmem_shared>>, %arg11: memref<10000x48xf32, #tpu.memory_space<vmem_shared>>, %arg12: memref<!tpu.dma_semaphore, #tpu.memory_space<semaphore_mem>>) attributes {dimension_semantics = [#tpu.dimension_semantics<core_parallel>, #tpu.dimension_semantics<subcore_parallel>], iteration_bounds = array<i64: 2, 16>, scalar_prefetch = 0 : i64, scratch_operands = 6 : i64, tpu.core_type = #tpu.core_type<sc_vector_subcore>, window_params = [{transform_indices = #map}, {transform_indices = #map}, {transform_indices = #map}, {transform_indices = #map}, {transform_indices = #map1}]} {
    %eq3A = arith.constant 0 : i32
    %eq3A_0 = arith.cmpi eq, %arg0, %eq3A : i32
    %convert_element_type3A = arith.extui %eq3A_0 : i1 to i32
    %cond3A = arith.constant 0 : i32
    %cond3A_1 = arith.cmpi ne, %convert_element_type3A, %cond3A : i32
    scf.if %cond3A_1 {
      %mul3A_61 = arith.constant 10 : i32
      %mul3A_62 = arith.muli %arg1, %mul3A_61 : i32
      %dma_start3A_63 = arith.constant 0 : i32
      %dma_start3A_64 = arith.constant 0 : i32
      %dma_start3A_65 = tpu.memref_slice %arg7[%dma_start3A_63, %dma_start3A_64] : memref<10x1000xi32, #tpu.memory_space<vmem>> -> memref<10x1000xi32, #tpu.memory_space<vmem>>
      %dma_start3A_66 = arith.constant 0 : i32
      %dma_start3A_67 = tpu.memref_slice %arg2[%mul3A_62, %dma_start3A_66] : memref<320x1000xi32, #tpu.memory_space<hbm>> -> memref<10x1000xi32, #tpu.memory_space<hbm>>
      %dma_start3A_68 = arith.constant 0 : i32
      %dma_start3A_69 = arith.constant 0 : i32
      %dma_start3A_70 = tpu.memref_slice %arg7[%dma_start3A_68, %dma_start3A_69] : memref<10x1000xi32, #tpu.memory_space<vmem>> -> memref<10x1000xi32, #tpu.memory_space<vmem>>
      %dma_start3A_71 = arith.constant 0 : i32
      %dma_start3A_72 = tpu.memref_slice %arg2[%mul3A_62, %dma_start3A_71] : memref<320x1000xi32, #tpu.memory_space<hbm>> -> memref<10x1000xi32, #tpu.memory_space<hbm>>
      tpu.enqueue_dma source(%dma_start3A_72 : memref<10x1000xi32, #tpu.memory_space<hbm>>) target(%dma_start3A_70 : memref<10x1000xi32, #tpu.memory_space<vmem>>) target_semaphore(%arg12 : memref<!tpu.dma_semaphore, #tpu.memory_space<semaphore_mem>>)
      %mul3A_73 = arith.constant 10 : i32
      %mul3A_74 = arith.muli %arg1, %mul3A_73 : i32
      %dma_start3A_75 = arith.constant 0 : i32
      %dma_start3A_76 = arith.constant 0 : i32
      %dma_start3A_77 = tpu.memref_slice %arg8[%dma_start3A_75, %dma_start3A_76] : memref<10x1000xi32, #tpu.memory_space<vmem>> -> memref<10x1000xi32, #tpu.memory_space<vmem>>
      %dma_start3A_78 = arith.constant 0 : i32
      %dma_start3A_79 = tpu.memref_slice %arg3[%mul3A_74, %dma_start3A_78] : memref<320x1000xi32, #tpu.memory_space<hbm>> -> memref<10x1000xi32, #tpu.memory_space<hbm>>
      %dma_start3A_80 = arith.constant 0 : i32
      %dma_start3A_81 = arith.constant 0 : i32
      %dma_start3A_82 = tpu.memref_slice %arg8[%dma_start3A_80, %dma_start3A_81] : memref<10x1000xi32, #tpu.memory_space<vmem>> -> memref<10x1000xi32, #tpu.memory_space<vmem>>
      %dma_start3A_83 = arith.constant 0 : i32
      %dma_start3A_84 = tpu.memref_slice %arg3[%mul3A_74, %dma_start3A_83] : memref<320x1000xi32, #tpu.memory_space<hbm>> -> memref<10x1000xi32, #tpu.memory_space<hbm>>
      tpu.enqueue_dma source(%dma_start3A_84 : memref<10x1000xi32, #tpu.memory_space<hbm>>) target(%dma_start3A_82 : memref<10x1000xi32, #tpu.memory_space<vmem>>) target_semaphore(%arg12 : memref<!tpu.dma_semaphore, #tpu.memory_space<semaphore_mem>>)
    } else {
    }
    %eq3A_2 = arith.constant 1 : i32
    %eq3A_3 = arith.cmpi eq, %arg0, %eq3A_2 : i32
    %convert_element_type3A_4 = arith.extui %eq3A_3 : i1 to i32
    %cond3A_5 = arith.constant 0 : i32
    %cond3A_6 = arith.cmpi ne, %convert_element_type3A_4, %cond3A_5 : i32
    scf.if %cond3A_6 {
      %mul3A_61 = arith.constant 10 : i32
      %mul3A_62 = arith.muli %arg1, %mul3A_61 : i32
      %add3A_63 = arith.constant 160 : i32
      %add3A_64 = arith.addi %add3A_63, %mul3A_62 : i32
      %dma_start3A_65 = arith.constant 0 : i32
      %dma_start3A_66 = arith.constant 0 : i32
      %dma_start3A_67 = tpu.memref_slice %arg7[%dma_start3A_65, %dma_start3A_66] : memref<10x1000xi32, #tpu.memory_space<vmem>> -> memref<10x1000xi32, #tpu.memory_space<vmem>>
      %dma_start3A_68 = arith.constant 0 : i32
      %dma_start3A_69 = tpu.memref_slice %arg2[%add3A_64, %dma_start3A_68] : memref<320x1000xi32, #tpu.memory_space<hbm>> -> memref<10x1000xi32, #tpu.memory_space<hbm>>
      %dma_start3A_70 = arith.constant 0 : i32
      %dma_start3A_71 = arith.constant 0 : i32
      %dma_start3A_72 = tpu.memref_slice %arg7[%dma_start3A_70, %dma_start3A_71] : memref<10x1000xi32, #tpu.memory_space<vmem>> -> memref<10x1000xi32, #tpu.memory_space<vmem>>
      %dma_start3A_73 = arith.constant 0 : i32
      %dma_start3A_74 = tpu.memref_slice %arg2[%add3A_64, %dma_start3A_73] : memref<320x1000xi32, #tpu.memory_space<hbm>> -> memref<10x1000xi32, #tpu.memory_space<hbm>>
      tpu.enqueue_dma source(%dma_start3A_74 : memref<10x1000xi32, #tpu.memory_space<hbm>>) target(%dma_start3A_72 : memref<10x1000xi32, #tpu.memory_space<vmem>>) target_semaphore(%arg12 : memref<!tpu.dma_semaphore, #tpu.memory_space<semaphore_mem>>)
      %mul3A_75 = arith.constant 10 : i32
      %mul3A_76 = arith.muli %arg1, %mul3A_75 : i32
      %add3A_77 = arith.constant 160 : i32
      %add3A_78 = arith.addi %add3A_77, %mul3A_76 : i32
      %dma_start3A_79 = arith.constant 0 : i32
      %dma_start3A_80 = arith.constant 0 : i32
      %dma_start3A_81 = tpu.memref_slice %arg8[%dma_start3A_79, %dma_start3A_80] : memref<10x1000xi32, #tpu.memory_space<vmem>> -> memref<10x1000xi32, #tpu.memory_space<vmem>>
      %dma_start3A_82 = arith.constant 0 : i32
      %dma_start3A_83 = tpu.memref_slice %arg3[%add3A_78, %dma_start3A_82] : memref<320x1000xi32, #tpu.memory_space<hbm>> -> memref<10x1000xi32, #tpu.memory_space<hbm>>
      %dma_start3A_84 = arith.constant 0 : i32
      %dma_start3A_85 = arith.constant 0 : i32
      %dma_start3A_86 = tpu.memref_slice %arg8[%dma_start3A_84, %dma_start3A_85] : memref<10x1000xi32, #tpu.memory_space<vmem>> -> memref<10x1000xi32, #tpu.memory_space<vmem>>
      %dma_start3A_87 = arith.constant 0 : i32
      %dma_start3A_88 = tpu.memref_slice %arg3[%add3A_78, %dma_start3A_87] : memref<320x1000xi32, #tpu.memory_space<hbm>> -> memref<10x1000xi32, #tpu.memory_space<hbm>>
      tpu.enqueue_dma source(%dma_start3A_88 : memref<10x1000xi32, #tpu.memory_space<hbm>>) target(%dma_start3A_86 : memref<10x1000xi32, #tpu.memory_space<vmem>>) target_semaphore(%arg12 : memref<!tpu.dma_semaphore, #tpu.memory_space<semaphore_mem>>)
    } else {
    }
    %mul3A = arith.constant 625 : i32
    %mul3A_7 = arith.muli %arg1, %mul3A : i32
    %dma_start3A = arith.constant 0 : i32
    %dma_start3A_8 = tpu.memref_slice %arg10[%mul3A_7, %dma_start3A] : memref<10000x48xf32, #tpu.memory_space<vmem_shared>> -> memref<625x48xf32, #tpu.memory_space<vmem_shared>>
    tpu.enqueue_dma source(%arg4 : memref<625x48xf32, #tpu.memory_space<hbm>>) target(%dma_start3A_8 : memref<625x48xf32, #tpu.memory_space<vmem_shared>>) target_semaphore(%arg12 : memref<!tpu.dma_semaphore, #tpu.memory_space<semaphore_mem>>)
    %mul3A_9 = arith.constant 625 : i32
    %mul3A_10 = arith.muli %arg1, %mul3A_9 : i32
    %mul3A_11 = arith.constant 625 : i32
    %mul3A_12 = arith.muli %arg1, %mul3A_11 : i32
    %dma_start3A_13 = arith.constant 0 : i32
    %dma_start3A_14 = tpu.memref_slice %arg11[%mul3A_12, %dma_start3A_13] : memref<10000x48xf32, #tpu.memory_space<vmem_shared>> -> memref<625x48xf32, #tpu.memory_space<vmem_shared>>
    %dma_start3A_15 = arith.constant 0 : i32
    %dma_start3A_16 = tpu.memref_slice %arg5[%mul3A_10, %dma_start3A_15] : memref<10000x48xf32, #tpu.memory_space<hbm>> -> memref<625x48xf32, #tpu.memory_space<hbm>>
    tpu.enqueue_dma source(%dma_start3A_16 : memref<625x48xf32, #tpu.memory_space<hbm>>) target(%dma_start3A_14 : memref<625x48xf32, #tpu.memory_space<vmem_shared>>) target_semaphore(%arg12 : memref<!tpu.dma_semaphore, #tpu.memory_space<semaphore_mem>>)
    %eq3A_17 = arith.constant 0 : i32
    %eq3A_18 = arith.cmpi eq, %arg0, %eq3A_17 : i32
    %convert_element_type3A_19 = arith.extui %eq3A_18 : i1 to i32
    %cond3A_20 = arith.constant 0 : i32
    %cond3A_21 = arith.cmpi ne, %convert_element_type3A_19, %cond3A_20 : i32
    scf.if %cond3A_21 {
      %mul3A_61 = arith.constant 10 : i32
      %mul3A_62 = arith.muli %arg1, %mul3A_61 : i32
      %dma_wait3A_63 = arith.constant 0 : i32
      %dma_wait3A_64 = arith.constant 0 : i32
      %dma_wait3A_65 = tpu.memref_slice %arg7[%dma_wait3A_63, %dma_wait3A_64] : memref<10x1000xi32, #tpu.memory_space<vmem>> -> memref<10x1000xi32, #tpu.memory_space<vmem>>
      %dma_wait3A_66 = arith.constant 0 : i32
      %dma_wait3A_67 = tpu.memref_slice %arg2[%mul3A_62, %dma_wait3A_66] : memref<320x1000xi32, #tpu.memory_space<hbm>> -> memref<10x1000xi32, #tpu.memory_space<hbm>>
      %dma_wait3A_68 = arith.constant 0 : i32
      %dma_wait3A_69 = arith.constant 0 : i32
      %dma_wait3A_70 = tpu.memref_slice %arg7[%dma_wait3A_68, %dma_wait3A_69] : memref<10x1000xi32, #tpu.memory_space<vmem>> -> memref<10x1000xi32, #tpu.memory_space<vmem>>
      %dma_wait3A_71 = arith.constant 0 : i32
      %dma_wait3A_72 = tpu.memref_slice %arg2[%mul3A_62, %dma_wait3A_71] : memref<320x1000xi32, #tpu.memory_space<hbm>> -> memref<10x1000xi32, #tpu.memory_space<hbm>>
      tpu.wait_dma2 semaphore(%arg12 : memref<!tpu.dma_semaphore, #tpu.memory_space<semaphore_mem>>) src(%dma_wait3A_72 : memref<10x1000xi32, #tpu.memory_space<hbm>>) dst(%dma_wait3A_70 : memref<10x1000xi32, #tpu.memory_space<vmem>>)
      %mul3A_73 = arith.constant 10 : i32
      %mul3A_74 = arith.muli %arg1, %mul3A_73 : i32
      %dma_wait3A_75 = arith.constant 0 : i32
      %dma_wait3A_76 = arith.constant 0 : i32
      %dma_wait3A_77 = tpu.memref_slice %arg8[%dma_wait3A_75, %dma_wait3A_76] : memref<10x1000xi32, #tpu.memory_space<vmem>> -> memref<10x1000xi32, #tpu.memory_space<vmem>>
      %dma_wait3A_78 = arith.constant 0 : i32
      %dma_wait3A_79 = tpu.memref_slice %arg3[%mul3A_74, %dma_wait3A_78] : memref<320x1000xi32, #tpu.memory_space<hbm>> -> memref<10x1000xi32, #tpu.memory_space<hbm>>
      %dma_wait3A_80 = arith.constant 0 : i32
      %dma_wait3A_81 = arith.constant 0 : i32
      %dma_wait3A_82 = tpu.memref_slice %arg8[%dma_wait3A_80, %dma_wait3A_81] : memref<10x1000xi32, #tpu.memory_space<vmem>> -> memref<10x1000xi32, #tpu.memory_space<vmem>>
      %dma_wait3A_83 = arith.constant 0 : i32
      %dma_wait3A_84 = tpu.memref_slice %arg3[%mul3A_74, %dma_wait3A_83] : memref<320x1000xi32, #tpu.memory_space<hbm>> -> memref<10x1000xi32, #tpu.memory_space<hbm>>
      tpu.wait_dma2 semaphore(%arg12 : memref<!tpu.dma_semaphore, #tpu.memory_space<semaphore_mem>>) src(%dma_wait3A_84 : memref<10x1000xi32, #tpu.memory_space<hbm>>) dst(%dma_wait3A_82 : memref<10x1000xi32, #tpu.memory_space<vmem>>)
    } else {
    }
    %eq3A_22 = arith.constant 1 : i32
    %eq3A_23 = arith.cmpi eq, %arg0, %eq3A_22 : i32
    %convert_element_type3A_24 = arith.extui %eq3A_23 : i1 to i32
    %cond3A_25 = arith.constant 0 : i32
    %cond3A_26 = arith.cmpi ne, %convert_element_type3A_24, %cond3A_25 : i32
    scf.if %cond3A_26 {
      %mul3A_61 = arith.constant 10 : i32
      %mul3A_62 = arith.muli %arg1, %mul3A_61 : i32
      %add3A_63 = arith.constant 160 : i32
      %add3A_64 = arith.addi %add3A_63, %mul3A_62 : i32
      %dma_wait3A_65 = arith.constant 0 : i32
      %dma_wait3A_66 = arith.constant 0 : i32
      %dma_wait3A_67 = tpu.memref_slice %arg7[%dma_wait3A_65, %dma_wait3A_66] : memref<10x1000xi32, #tpu.memory_space<vmem>> -> memref<10x1000xi32, #tpu.memory_space<vmem>>
      %dma_wait3A_68 = arith.constant 0 : i32
      %dma_wait3A_69 = tpu.memref_slice %arg2[%add3A_64, %dma_wait3A_68] : memref<320x1000xi32, #tpu.memory_space<hbm>> -> memref<10x1000xi32, #tpu.memory_space<hbm>>
      %dma_wait3A_70 = arith.constant 0 : i32
      %dma_wait3A_71 = arith.constant 0 : i32
      %dma_wait3A_72 = tpu.memref_slice %arg7[%dma_wait3A_70, %dma_wait3A_71] : memref<10x1000xi32, #tpu.memory_space<vmem>> -> memref<10x1000xi32, #tpu.memory_space<vmem>>
      %dma_wait3A_73 = arith.constant 0 : i32
      %dma_wait3A_74 = tpu.memref_slice %arg2[%add3A_64, %dma_wait3A_73] : memref<320x1000xi32, #tpu.memory_space<hbm>> -> memref<10x1000xi32, #tpu.memory_space<hbm>>
      tpu.wait_dma2 semaphore(%arg12 : memref<!tpu.dma_semaphore, #tpu.memory_space<semaphore_mem>>) src(%dma_wait3A_74 : memref<10x1000xi32, #tpu.memory_space<hbm>>) dst(%dma_wait3A_72 : memref<10x1000xi32, #tpu.memory_space<vmem>>)
      %mul3A_75 = arith.constant 10 : i32
      %mul3A_76 = arith.muli %arg1, %mul3A_75 : i32
      %add3A_77 = arith.constant 160 : i32
      %add3A_78 = arith.addi %add3A_77, %mul3A_76 : i32
      %dma_wait3A_79 = arith.constant 0 : i32
      %dma_wait3A_80 = arith.constant 0 : i32
      %dma_wait3A_81 = tpu.memref_slice %arg8[%dma_wait3A_79, %dma_wait3A_80] : memref<10x1000xi32, #tpu.memory_space<vmem>> -> memref<10x1000xi32, #tpu.memory_space<vmem>>
      %dma_wait3A_82 = arith.constant 0 : i32
      %dma_wait3A_83 = tpu.memref_slice %arg3[%add3A_78, %dma_wait3A_82] : memref<320x1000xi32, #tpu.memory_space<hbm>> -> memref<10x1000xi32, #tpu.memory_space<hbm>>
      %dma_wait3A_84 = arith.constant 0 : i32
      %dma_wait3A_85 = arith.constant 0 : i32
      %dma_wait3A_86 = tpu.memref_slice %arg8[%dma_wait3A_84, %dma_wait3A_85] : memref<10x1000xi32, #tpu.memory_space<vmem>> -> memref<10x1000xi32, #tpu.memory_space<vmem>>
      %dma_wait3A_87 = arith.constant 0 : i32
      %dma_wait3A_88 = tpu.memref_slice %arg3[%add3A_78, %dma_wait3A_87] : memref<320x1000xi32, #tpu.memory_space<hbm>> -> memref<10x1000xi32, #tpu.memory_space<hbm>>
      tpu.wait_dma2 semaphore(%arg12 : memref<!tpu.dma_semaphore, #tpu.memory_space<semaphore_mem>>) src(%dma_wait3A_88 : memref<10x1000xi32, #tpu.memory_space<hbm>>) dst(%dma_wait3A_86 : memref<10x1000xi32, #tpu.memory_space<vmem>>)
    } else {
    }
    %mul3A_27 = arith.constant 625 : i32
    %mul3A_28 = arith.muli %arg1, %mul3A_27 : i32
    %dma_wait3A = arith.constant 0 : i32
    %dma_wait3A_29 = tpu.memref_slice %arg10[%mul3A_28, %dma_wait3A] : memref<10000x48xf32, #tpu.memory_space<vmem_shared>> -> memref<625x48xf32, #tpu.memory_space<vmem_shared>>
    tpu.wait_dma2 semaphore(%arg12 : memref<!tpu.dma_semaphore, #tpu.memory_space<semaphore_mem>>) src(%arg4 : memref<625x48xf32, #tpu.memory_space<hbm>>) dst(%dma_wait3A_29 : memref<625x48xf32, #tpu.memory_space<vmem_shared>>)
    %mul3A_30 = arith.constant 625 : i32
    %mul3A_31 = arith.muli %arg1, %mul3A_30 : i32
    %mul3A_32 = arith.constant 625 : i32
    %mul3A_33 = arith.muli %arg1, %mul3A_32 : i32
    %dma_wait3A_34 = arith.constant 0 : i32
    %dma_wait3A_35 = tpu.memref_slice %arg11[%mul3A_33, %dma_wait3A_34] : memref<10000x48xf32, #tpu.memory_space<vmem_shared>> -> memref<625x48xf32, #tpu.memory_space<vmem_shared>>
    %dma_wait3A_36 = arith.constant 0 : i32
    %dma_wait3A_37 = tpu.memref_slice %arg5[%mul3A_31, %dma_wait3A_36] : memref<10000x48xf32, #tpu.memory_space<hbm>> -> memref<625x48xf32, #tpu.memory_space<hbm>>
    tpu.wait_dma2 semaphore(%arg12 : memref<!tpu.dma_semaphore, #tpu.memory_space<semaphore_mem>>) src(%dma_wait3A_37 : memref<625x48xf32, #tpu.memory_space<hbm>>) dst(%dma_wait3A_35 : memref<625x48xf32, #tpu.memory_space<vmem_shared>>)
    %barrier3A = arith.constant 0 : index
    tpu.barrier barrier_id(%barrier3A)
    %eq3A_38 = arith.constant 0 : i32
    %eq3A_39 = arith.cmpi eq, %arg0, %eq3A_38 : i32
    %jit3A = arith.constant 10 : i32
    %jit3A_40 = arith.constant 10 : i32
    %select_n3A = arith.select %eq3A_39, %jit3A, %jit3A_40 : i32
    %sub3A = arith.constant 0 : i32
    %sub3A_41 = arith.subi %select_n3A, %sub3A : i32
    %sub3A_42 = arith.constant 1 : i32
    %sub3A_43 = arith.constant 1 : i32
    %sub3A_44 = arith.subi %sub3A_42, %sub3A_43 : i32
    %add3A = arith.addi %sub3A_41, %sub3A_44 : i32
    %div3A = arith.constant 1 : i32
    %div3A_45 = arith.divsi %add3A, %div3A : i32
    %while3A = arith.constant 1 : i32
    %while3A_46 = arith.constant 0 : i32
    %while3A_47 = arith.constant 0 : i32
    %while3A_48 = arith.subi %div3A_45, %while3A_47 : i32
    %while3A_49 = arith.addi %while3A_47, %while3A_48 : i32
    %while3A_50 = arith.constant 1 : i32
    %while3A_51 = arith.divsi %while3A_48, %while3A_50 : i32
    %while3A_52 = arith.muli %while3A_51, %while3A_50 : i32
    %while3A_53 = arith.addi %while3A_47, %while3A_52 : i32
    %while3A_54 = arith.constant 1 : i32
    scf.for %while3A_61 = %while3A_47 to %while3A_53 step %while3A_54  : i32 {
      %mul3A_62 = arith.muli %while3A_61, %while3A : i32
      %add3A_63 = arith.addi %while3A_46, %mul3A_62 : i32
      %dma_start3A_64 = arith.constant 0 : i32
      %dma_start3A_65 = tpu.memref_slice %arg7[%add3A_63, %dma_start3A_64] : memref<10x1000xi32, #tpu.memory_space<vmem>> -> memref<1x1000xi32, #tpu.memory_space<vmem>>
      %dma_start3A_66 = tpu.memref_squeeze %dma_start3A_65 : memref<1x1000xi32, #tpu.memory_space<vmem>> -> memref<1000xi32, #tpu.memory_space<vmem>>
      %dma_start3A_67 = arith.constant 0 : i32
      %dma_start3A_68 = arith.constant 0 : i32
      %dma_start3A_69 = tpu.memref_slice %arg11[%dma_start3A_67, %dma_start3A_68] : memref<10000x48xf32, #tpu.memory_space<vmem_shared>> -> memref<10000x48xf32, #tpu.memory_space<vmem_shared>>
      tpu.enqueue_indirect_dma source(%dma_start3A_69 : memref<10000x48xf32, #tpu.memory_space<vmem_shared>>) target(%arg9 : memref<1000x48xf32, #tpu.memory_space<vmem>>) offsets(%dma_start3A_66 : memref<1000xi32, #tpu.memory_space<vmem>>) semaphore(%arg12 : memref<!tpu.dma_semaphore, #tpu.memory_space<semaphore_mem>>)
      %dma_wait3A_70 = arith.constant 0 : i32
      %dma_wait3A_71 = tpu.memref_slice %arg7[%add3A_63, %dma_wait3A_70] : memref<10x1000xi32, #tpu.memory_space<vmem>> -> memref<1x1000xi32, #tpu.memory_space<vmem>>
      %dma_wait3A_72 = tpu.memref_squeeze %dma_wait3A_71 : memref<1x1000xi32, #tpu.memory_space<vmem>> -> memref<1000xi32, #tpu.memory_space<vmem>>
      %dma_wait3A_73 = arith.constant 0 : i32
      %dma_wait3A_74 = arith.constant 0 : i32
      %dma_wait3A_75 = tpu.memref_slice %arg11[%dma_wait3A_73, %dma_wait3A_74] : memref<10000x48xf32, #tpu.memory_space<vmem_shared>> -> memref<10000x48xf32, #tpu.memory_space<vmem_shared>>
      tpu.wait_indirect_dma semaphore(%arg12 : memref<!tpu.dma_semaphore, #tpu.memory_space<semaphore_mem>>) src(%dma_wait3A_75 : memref<10000x48xf32, #tpu.memory_space<vmem_shared>>) dst(%arg9 : memref<1000x48xf32, #tpu.memory_space<vmem>>)
      "tpu.region"() ({
        %run_scoped3A = tpu.sem_alloc : memref<!tpu.dma_semaphore, #tpu.memory_space<semaphore_mem>>
        %dma_start3A_76 = arith.constant 0 : i32
        %dma_start3A_77 = tpu.memref_slice %arg8[%add3A_63, %dma_start3A_76] : memref<10x1000xi32, #tpu.memory_space<vmem>> -> memref<1x1000xi32, #tpu.memory_space<vmem>>
        %dma_start3A_78 = tpu.memref_squeeze %dma_start3A_77 : memref<1x1000xi32, #tpu.memory_space<vmem>> -> memref<1000xi32, #tpu.memory_space<vmem>>
        %dma_start3A_79 = arith.constant 0 : i32
        %dma_start3A_80 = arith.constant 0 : i32
        %dma_start3A_81 = tpu.memref_slice %arg10[%dma_start3A_79, %dma_start3A_80] : memref<10000x48xf32, #tpu.memory_space<vmem_shared>> -> memref<10000x48xf32, #tpu.memory_space<vmem_shared>>
        tpu.enqueue_indirect_dma source(%arg9 : memref<1000x48xf32, #tpu.memory_space<vmem>>) target(%dma_start3A_81 : memref<10000x48xf32, #tpu.memory_space<vmem_shared>>) offsets(%dma_start3A_78 : memref<1000xi32, #tpu.memory_space<vmem>>) semaphore(%run_scoped3A : memref<!tpu.dma_semaphore, #tpu.memory_space<semaphore_mem>>) {add = true}
        %dma_wait3A_82 = arith.constant 0 : i32
        %dma_wait3A_83 = tpu.memref_slice %arg8[%add3A_63, %dma_wait3A_82] : memref<10x1000xi32, #tpu.memory_space<vmem>> -> memref<1x1000xi32, #tpu.memory_space<vmem>>
        %dma_wait3A_84 = tpu.memref_squeeze %dma_wait3A_83 : memref<1x1000xi32, #tpu.memory_space<vmem>> -> memref<1000xi32, #tpu.memory_space<vmem>>
        %dma_wait3A_85 = arith.constant 0 : i32
        %dma_wait3A_86 = arith.constant 0 : i32
        %dma_wait3A_87 = tpu.memref_slice %arg10[%dma_wait3A_85, %dma_wait3A_86] : memref<10000x48xf32, #tpu.memory_space<vmem_shared>> -> memref<10000x48xf32, #tpu.memory_space<vmem_shared>>
        tpu.wait_indirect_dma semaphore(%run_scoped3A : memref<!tpu.dma_semaphore, #tpu.memory_space<semaphore_mem>>) src(%arg9 : memref<1000x48xf32, #tpu.memory_space<vmem>>) dst(%dma_wait3A_87 : memref<10000x48xf32, #tpu.memory_space<vmem_shared>>)
        tpu.yield
      }) : () -> ()
    }
    %while3A_55 = arith.constant 1 : i32
    scf.for %while3A_61 = %while3A_53 to %while3A_49 step %while3A_55  : i32 {
      %mul3A_62 = arith.muli %while3A_61, %while3A : i32
      %add3A_63 = arith.addi %while3A_46, %mul3A_62 : i32
      %dma_start3A_64 = arith.constant 0 : i32
      %dma_start3A_65 = tpu.memref_slice %arg7[%add3A_63, %dma_start3A_64] : memref<10x1000xi32, #tpu.memory_space<vmem>> -> memref<1x1000xi32, #tpu.memory_space<vmem>>
      %dma_start3A_66 = tpu.memref_squeeze %dma_start3A_65 : memref<1x1000xi32, #tpu.memory_space<vmem>> -> memref<1000xi32, #tpu.memory_space<vmem>>
      %dma_start3A_67 = arith.constant 0 : i32
      %dma_start3A_68 = arith.constant 0 : i32
      %dma_start3A_69 = tpu.memref_slice %arg11[%dma_start3A_67, %dma_start3A_68] : memref<10000x48xf32, #tpu.memory_space<vmem_shared>> -> memref<10000x48xf32, #tpu.memory_space<vmem_shared>>
      tpu.enqueue_indirect_dma source(%dma_start3A_69 : memref<10000x48xf32, #tpu.memory_space<vmem_shared>>) target(%arg9 : memref<1000x48xf32, #tpu.memory_space<vmem>>) offsets(%dma_start3A_66 : memref<1000xi32, #tpu.memory_space<vmem>>) semaphore(%arg12 : memref<!tpu.dma_semaphore, #tpu.memory_space<semaphore_mem>>)
      %dma_wait3A_70 = arith.constant 0 : i32
      %dma_wait3A_71 = tpu.memref_slice %arg7[%add3A_63, %dma_wait3A_70] : memref<10x1000xi32, #tpu.memory_space<vmem>> -> memref<1x1000xi32, #tpu.memory_space<vmem>>
      %dma_wait3A_72 = tpu.memref_squeeze %dma_wait3A_71 : memref<1x1000xi32, #tpu.memory_space<vmem>> -> memref<1000xi32, #tpu.memory_space<vmem>>
      %dma_wait3A_73 = arith.constant 0 : i32
      %dma_wait3A_74 = arith.constant 0 : i32
      %dma_wait3A_75 = tpu.memref_slice %arg11[%dma_wait3A_73, %dma_wait3A_74] : memref<10000x48xf32, #tpu.memory_space<vmem_shared>> -> memref<10000x48xf32, #tpu.memory_space<vmem_shared>>
      tpu.wait_indirect_dma semaphore(%arg12 : memref<!tpu.dma_semaphore, #tpu.memory_space<semaphore_mem>>) src(%dma_wait3A_75 : memref<10000x48xf32, #tpu.memory_space<vmem_shared>>) dst(%arg9 : memref<1000x48xf32, #tpu.memory_space<vmem>>)
      "tpu.region"() ({
        %run_scoped3A = tpu.sem_alloc : memref<!tpu.dma_semaphore, #tpu.memory_space<semaphore_mem>>
        %dma_start3A_76 = arith.constant 0 : i32
        %dma_start3A_77 = tpu.memref_slice %arg8[%add3A_63, %dma_start3A_76] : memref<10x1000xi32, #tpu.memory_space<vmem>> -> memref<1x1000xi32, #tpu.memory_space<vmem>>
        %dma_start3A_78 = tpu.memref_squeeze %dma_start3A_77 : memref<1x1000xi32, #tpu.memory_space<vmem>> -> memref<1000xi32, #tpu.memory_space<vmem>>
        %dma_start3A_79 = arith.constant 0 : i32
        %dma_start3A_80 = arith.constant 0 : i32
        %dma_start3A_81 = tpu.memref_slice %arg10[%dma_start3A_79, %dma_start3A_80] : memref<10000x48xf32, #tpu.memory_space<vmem_shared>> -> memref<10000x48xf32, #tpu.memory_space<vmem_shared>>
        tpu.enqueue_indirect_dma source(%arg9 : memref<1000x48xf32, #tpu.memory_space<vmem>>) target(%dma_start3A_81 : memref<10000x48xf32, #tpu.memory_space<vmem_shared>>) offsets(%dma_start3A_78 : memref<1000xi32, #tpu.memory_space<vmem>>) semaphore(%run_scoped3A : memref<!tpu.dma_semaphore, #tpu.memory_space<semaphore_mem>>) {add = true}
        %dma_wait3A_82 = arith.constant 0 : i32
        %dma_wait3A_83 = tpu.memref_slice %arg8[%add3A_63, %dma_wait3A_82] : memref<10x1000xi32, #tpu.memory_space<vmem>> -> memref<1x1000xi32, #tpu.memory_space<vmem>>
        %dma_wait3A_84 = tpu.memref_squeeze %dma_wait3A_83 : memref<1x1000xi32, #tpu.memory_space<vmem>> -> memref<1000xi32, #tpu.memory_space<vmem>>
        %dma_wait3A_85 = arith.constant 0 : i32
        %dma_wait3A_86 = arith.constant 0 : i32
        %dma_wait3A_87 = tpu.memref_slice %arg10[%dma_wait3A_85, %dma_wait3A_86] : memref<10000x48xf32, #tpu.memory_space<vmem_shared>> -> memref<10000x48xf32, #tpu.memory_space<vmem_shared>>
        tpu.wait_indirect_dma semaphore(%run_scoped3A : memref<!tpu.dma_semaphore, #tpu.memory_space<semaphore_mem>>) src(%arg9 : memref<1000x48xf32, #tpu.memory_space<vmem>>) dst(%dma_wait3A_87 : memref<10000x48xf32, #tpu.memory_space<vmem_shared>>)
        tpu.yield
      }) : () -> ()
    }
    %barrier3A_56 = arith.constant 0 : index
    tpu.barrier barrier_id(%barrier3A_56)
    %mul3A_57 = arith.constant 625 : i32
    %mul3A_58 = arith.muli %arg1, %mul3A_57 : i32
    %mul3A_59 = arith.constant 625 : i32
    %mul3A_60 = arith.muli %arg1, %mul3A_59 : i32
    "tpu.region"() ({
      %run_scoped3A = tpu.sem_alloc : memref<!tpu.dma_semaphore, #tpu.memory_space<semaphore_mem>>
      %dma_start3A_61 = arith.constant 0 : i32
      %dma_start3A_62 = tpu.memref_slice %arg6[%arg0, %mul3A_60, %dma_start3A_61] : memref<2x10000x48xf32, #tpu.memory_space<hbm>> -> memref<1x625x48xf32, #tpu.memory_space<hbm>>
      %dma_start3A_63 = tpu.memref_squeeze %dma_start3A_62 : memref<1x625x48xf32, #tpu.memory_space<hbm>> -> memref<625x48xf32, #tpu.memory_space<hbm>>
      %dma_start3A_64 = arith.constant 0 : i32
      %dma_start3A_65 = tpu.memref_slice %arg10[%mul3A_58, %dma_start3A_64] : memref<10000x48xf32, #tpu.memory_space<vmem_shared>> -> memref<625x48xf32, #tpu.memory_space<vmem_shared>>
      tpu.enqueue_dma source(%dma_start3A_65 : memref<625x48xf32, #tpu.memory_space<vmem_shared>>) target(%dma_start3A_63 : memref<625x48xf32, #tpu.memory_space<hbm>>) target_semaphore(%run_scoped3A : memref<!tpu.dma_semaphore, #tpu.memory_space<semaphore_mem>>)
      %dma_wait3A_66 = arith.constant 0 : i32
      %dma_wait3A_67 = tpu.memref_slice %arg6[%arg0, %mul3A_60, %dma_wait3A_66] : memref<2x10000x48xf32, #tpu.memory_space<hbm>> -> memref<1x625x48xf32, #tpu.memory_space<hbm>>
      %dma_wait3A_68 = tpu.memref_squeeze %dma_wait3A_67 : memref<1x625x48xf32, #tpu.memory_space<hbm>> -> memref<625x48xf32, #tpu.memory_space<hbm>>
      %dma_wait3A_69 = arith.constant 0 : i32
      %dma_wait3A_70 = tpu.memref_slice %arg10[%mul3A_58, %dma_wait3A_69] : memref<10000x48xf32, #tpu.memory_space<vmem_shared>> -> memref<625x48xf32, #tpu.memory_space<vmem_shared>>
      tpu.wait_dma2 semaphore(%run_scoped3A : memref<!tpu.dma_semaphore, #tpu.memory_space<semaphore_mem>>) src(%dma_wait3A_70 : memref<625x48xf32, #tpu.memory_space<vmem_shared>>) dst(%dma_wait3A_68 : memref<625x48xf32, #tpu.memory_space<hbm>>)
      tpu.yield
    }) : () -> ()
    return
  }
}

module attributes {stable_mosaic.version = 14 : i64} {
  func.func @body(%arg0: i32, %arg1: memref<2x1000x128xf32, #tpu.memory_space<vmem>>, %arg2: memref<128x128xf32, #tpu.memory_space<vmem>>, %arg3: memref<1x128xf32, #tpu.memory_space<vmem>>, %arg4: memref<128x40xf32, #tpu.memory_space<vmem>>, %arg5: memref<1x40xf32, #tpu.memory_space<vmem>>, %arg6: memref<1000x128xf32, #tpu.memory_space<vmem>>, %arg7: memref<1000x40xf32, #tpu.memory_space<vmem>>) attributes {dimension_semantics = [#tpu.dimension_semantics<arbitrary>], iteration_bounds = array<i64: 10>, scalar_prefetch = 0 : i64, scratch_operands = 0 : i64, tpu.core_type = #tpu.core_type<tc>, window_params = [{transform_indices = @transform_0, window_bounds = array<i64: 2, 1000, 128>}, {pipeline_mode = #tpu.pipeline_mode<synchronous>, transform_indices = @transform_1, window_bounds = array<i64: 128, 128>}, {pipeline_mode = #tpu.pipeline_mode<synchronous>, transform_indices = @transform_2, window_bounds = array<i64: 1, 128>}, {pipeline_mode = #tpu.pipeline_mode<synchronous>, transform_indices = @transform_3, window_bounds = array<i64: 128, 40>}, {pipeline_mode = #tpu.pipeline_mode<synchronous>, transform_indices = @transform_4, window_bounds = array<i64: 1, 40>}, {transform_indices = @transform_5, window_bounds = array<i64: 1000, 128>}, {transform_indices = @transform_6, window_bounds = array<i64: 1000, 40>}]} {
    %get3A = arith.constant 0 : index
    %get3A_0 = arith.constant 0 : index
    %get3A_1 = arith.constant 0 : index
    %get3A_2 = vector.load %arg1[%get3A, %get3A_0, %get3A_1] : memref<2x1000x128xf32, #tpu.memory_space<vmem>>, vector<1x1000x128xf32>
    %get3A_3 = vector.shape_cast %get3A_2 : vector<1x1000x128xf32> to vector<1000x128xf32>
    %get3A_4 = arith.constant 1 : index
    %get3A_5 = arith.constant 0 : index
    %get3A_6 = arith.constant 0 : index
    %get3A_7 = vector.load %arg1[%get3A_4, %get3A_5, %get3A_6] : memref<2x1000x128xf32, #tpu.memory_space<vmem>>, vector<1x1000x128xf32>
    %get3A_8 = vector.shape_cast %get3A_7 : vector<1x1000x128xf32> to vector<1000x128xf32>
    %add3A = arith.addf %get3A_3, %get3A_8 : vector<1000x128xf32>
    %get3A_9 = arith.constant 0 : index
    %get3A_10 = arith.constant 0 : index
    %get3A_11 = vector.load %arg2[%get3A_9, %get3A_10] : memref<128x128xf32, #tpu.memory_space<vmem>>, vector<128x128xf32>
    %dot_general3A = arith.constant dense<0.000000e+00> : vector<1000x128xf32>
    %dot_general3A_12 = tpu.matmul %add3A, %get3A_11, %dot_general3A {dimension_numbers = #tpu.dot_dimension_numbers<[1], [0], [0], [1], [0, 0, 1, 1], [], []>, transpose_lhs_hint = false} : vector<1000x128xf32>, vector<128x128xf32>, vector<1000x128xf32> -> vector<1000x128xf32>
    %get3A_13 = arith.constant 0 : index
    %get3A_14 = arith.constant 0 : index
    %get3A_15 = vector.load %arg3[%get3A_13, %get3A_14] : memref<1x128xf32, #tpu.memory_space<vmem>>, vector<1x128xf32>
    %add3A_16 = vector.broadcast %get3A_15 : vector<1x128xf32> to vector<1000x128xf32>
    %add3A_17 = arith.addf %dot_general3A_12, %add3A_16 : vector<1000x128xf32>
    %max3A = arith.constant 0.000000e+00 : f32
    %max3A_18 = vector.broadcast %max3A : f32 to vector<1000x128xf32>
    %max3A_19 = arith.maximumf %add3A_17, %max3A_18 : vector<1000x128xf32>
    %swap3A = arith.constant 0 : index
    %swap3A_20 = arith.constant 0 : index
    %swap3A_21 = vector.load %arg6[%swap3A, %swap3A_20] : memref<1000x128xf32, #tpu.memory_space<vmem>>, vector<1000x128xf32>
    tpu.vector_store %arg6[%swap3A, %swap3A_20], %max3A_19 {strides = array<i32>} : memref<1000x128xf32, #tpu.memory_space<vmem>>, vector<1000x128xf32>,
    %get3A_22 = arith.constant 0 : index
    %get3A_23 = arith.constant 0 : index
    %get3A_24 = vector.load %arg4[%get3A_22, %get3A_23] : memref<128x40xf32, #tpu.memory_space<vmem>>, vector<128x40xf32>
    %dot_general3A_25 = arith.constant dense<0.000000e+00> : vector<1000x40xf32>
    %dot_general3A_26 = tpu.matmul %max3A_19, %get3A_24, %dot_general3A_25 {dimension_numbers = #tpu.dot_dimension_numbers<[1], [0], [0], [1], [0, 0, 1, 1], [], []>, transpose_lhs_hint = false} : vector<1000x128xf32>, vector<128x40xf32>, vector<1000x40xf32> -> vector<1000x40xf32>
    %get3A_27 = arith.constant 0 : index
    %get3A_28 = arith.constant 0 : index
    %get3A_29 = vector.load %arg5[%get3A_27, %get3A_28] : memref<1x40xf32, #tpu.memory_space<vmem>>, vector<1x40xf32>
    %add3A_30 = vector.broadcast %get3A_29 : vector<1x40xf32> to vector<1000x40xf32>
    %add3A_31 = arith.addf %dot_general3A_26, %add3A_30 : vector<1000x40xf32>
    %swap3A_32 = arith.constant 0 : index
    %swap3A_33 = arith.constant 0 : index
    %swap3A_34 = vector.load %arg7[%swap3A_32, %swap3A_33] : memref<1000x40xf32, #tpu.memory_space<vmem>>, vector<1000x40xf32>
    tpu.vector_store %arg7[%swap3A_32, %swap3A_33], %add3A_31 {strides = array<i32>} : memref<1000x40xf32, #tpu.memory_space<vmem>>, vector<1000x40xf32>,
    return
  }
  func.func @transform_0(%arg0: i32) -> (i32, i32, i32) {
    %c0_i32 = arith.constant 0 : i32
    %c0_i32_0 = arith.constant 0 : i32
    %c0_i32_1 = arith.constant 0 : i32
    return %c0_i32, %arg0, %c0_i32_0 : i32, i32, i32
  }
  func.func @transform_1(%arg0: i32) -> (i32, i32) {
    %c0_i32 = arith.constant 0 : i32
    %c0_i32_0 = arith.constant 0 : i32
    %c0_i32_1 = arith.constant 0 : i32
    return %c0_i32, %c0_i32_0 : i32, i32
  }
  func.func @transform_2(%arg0: i32) -> (i32, i32) {
    %c0_i32 = arith.constant 0 : i32
    %c0_i32_0 = arith.constant 0 : i32
    %c0_i32_1 = arith.constant 0 : i32
    return %c0_i32, %c0_i32_0 : i32, i32
  }
  func.func @transform_3(%arg0: i32) -> (i32, i32) {
    %c0_i32 = arith.constant 0 : i32
    %c0_i32_0 = arith.constant 0 : i32
    %c0_i32_1 = arith.constant 0 : i32
    return %c0_i32, %c0_i32_0 : i32, i32
  }
  func.func @transform_4(%arg0: i32) -> (i32, i32) {
    %c0_i32 = arith.constant 0 : i32
    %c0_i32_0 = arith.constant 0 : i32
    %c0_i32_1 = arith.constant 0 : i32
    return %c0_i32, %c0_i32_0 : i32, i32
  }
  func.func @transform_5(%arg0: i32) -> (i32, i32) {
    %c0_i32 = arith.constant 0 : i32
    %c0_i32_0 = arith.constant 0 : i32
    return %arg0, %c0_i32 : i32, i32
  }
  func.func @transform_6(%arg0: i32) -> (i32, i32) {
    %c0_i32 = arith.constant 0 : i32
    %c0_i32_0 = arith.constant 0 : i32
    return %arg0, %c0_i32 : i32, i32
  }
}

module attributes {stable_mosaic.version = 14 : i64} {
  func.func @body(%arg0: i32, %arg1: memref<2x1000x128xf32, #tpu.memory_space<vmem>>, %arg2: memref<128x128xf32, #tpu.memory_space<vmem>>, %arg3: memref<1x128xf32, #tpu.memory_space<vmem>>, %arg4: memref<128x40xf32, #tpu.memory_space<vmem>>, %arg5: memref<1x40xf32, #tpu.memory_space<vmem>>, %arg6: memref<128x48xf32, #tpu.memory_space<vmem>>, %arg7: memref<1x40xf32, #tpu.memory_space<vmem>>, %arg8: memref<1000x40xf32, #tpu.memory_space<vmem>>, %arg9: memref<1000x40xf32, #tpu.memory_space<vmem>>, %arg10: memref<1000x48xf32, #tpu.memory_space<vmem>>) attributes {dimension_semantics = [#tpu.dimension_semantics<arbitrary>], iteration_bounds = array<i64: 10>, scalar_prefetch = 0 : i64, scratch_operands = 0 : i64, tpu.core_type = #tpu.core_type<tc>, window_params = [{transform_indices = @transform_0, window_bounds = array<i64: 2, 1000, 128>}, {pipeline_mode = #tpu.pipeline_mode<synchronous>, transform_indices = @transform_1, window_bounds = array<i64: 128, 128>}, {pipeline_mode = #tpu.pipeline_mode<synchronous>, transform_indices = @transform_2, window_bounds = array<i64: 1, 128>}, {pipeline_mode = #tpu.pipeline_mode<synchronous>, transform_indices = @transform_3, window_bounds = array<i64: 128, 40>}, {pipeline_mode = #tpu.pipeline_mode<synchronous>, transform_indices = @transform_4, window_bounds = array<i64: 1, 40>}, {pipeline_mode = #tpu.pipeline_mode<synchronous>, transform_indices = @transform_5, window_bounds = array<i64: 128, 48>}, {pipeline_mode = #tpu.pipeline_mode<synchronous>, transform_indices = @transform_6, window_bounds = array<i64: 1, 40>}, {transform_indices = @transform_7, window_bounds = array<i64: 1000, 40>}, {transform_indices = @transform_8, window_bounds = array<i64: 1000, 40>}, {transform_indices = @transform_9, window_bounds = array<i64: 1000, 48>}]} {
    %get3A = arith.constant 0 : index
    %get3A_0 = arith.constant 0 : index
    %get3A_1 = arith.constant 0 : index
    %get3A_2 = vector.load %arg1[%get3A, %get3A_0, %get3A_1] : memref<2x1000x128xf32, #tpu.memory_space<vmem>>, vector<1x1000x128xf32>
    %get3A_3 = vector.shape_cast %get3A_2 : vector<1x1000x128xf32> to vector<1000x128xf32>
    %get3A_4 = arith.constant 1 : index
    %get3A_5 = arith.constant 0 : index
    %get3A_6 = arith.constant 0 : index
    %get3A_7 = vector.load %arg1[%get3A_4, %get3A_5, %get3A_6] : memref<2x1000x128xf32, #tpu.memory_space<vmem>>, vector<1x1000x128xf32>
    %get3A_8 = vector.shape_cast %get3A_7 : vector<1x1000x128xf32> to vector<1000x128xf32>
    %add3A = arith.addf %get3A_3, %get3A_8 : vector<1000x128xf32>
    %get3A_9 = arith.constant 0 : index
    %get3A_10 = arith.constant 0 : index
    %get3A_11 = vector.load %arg2[%get3A_9, %get3A_10] : memref<128x128xf32, #tpu.memory_space<vmem>>, vector<128x128xf32>
    %dot_general3A = arith.constant dense<0.000000e+00> : vector<1000x128xf32>
    %dot_general3A_12 = tpu.matmul %add3A, %get3A_11, %dot_general3A {dimension_numbers = #tpu.dot_dimension_numbers<[1], [0], [0], [1], [0, 0, 1, 1], [], []>, transpose_lhs_hint = false} : vector<1000x128xf32>, vector<128x128xf32>, vector<1000x128xf32> -> vector<1000x128xf32>
    %get3A_13 = arith.constant 0 : index
    %get3A_14 = arith.constant 0 : index
    %get3A_15 = vector.load %arg3[%get3A_13, %get3A_14] : memref<1x128xf32, #tpu.memory_space<vmem>>, vector<1x128xf32>
    %add3A_16 = vector.broadcast %get3A_15 : vector<1x128xf32> to vector<1000x128xf32>
    %add3A_17 = arith.addf %dot_general3A_12, %add3A_16 : vector<1000x128xf32>
    %max3A = arith.constant 0.000000e+00 : f32
    %max3A_18 = vector.broadcast %max3A : f32 to vector<1000x128xf32>
    %max3A_19 = arith.maximumf %add3A_17, %max3A_18 : vector<1000x128xf32>
    %get3A_20 = arith.constant 0 : index
    %get3A_21 = arith.constant 0 : index
    %get3A_22 = vector.load %arg8[%get3A_20, %get3A_21] : memref<1000x40xf32, #tpu.memory_space<vmem>>, vector<1000x40xf32>
    %get3A_23 = arith.constant 0 : index
    %get3A_24 = arith.constant 0 : index
    %get3A_25 = vector.load %arg4[%get3A_23, %get3A_24] : memref<128x40xf32, #tpu.memory_space<vmem>>, vector<128x40xf32>
    %dot_general3A_26 = arith.constant dense<0.000000e+00> : vector<1000x40xf32>
    %dot_general3A_27 = tpu.matmul %max3A_19, %get3A_25, %dot_general3A_26 {dimension_numbers = #tpu.dot_dimension_numbers<[1], [0], [0], [1], [0, 0, 1, 1], [], []>, transpose_lhs_hint = false} : vector<1000x128xf32>, vector<128x40xf32>, vector<1000x40xf32> -> vector<1000x40xf32>
    %add3A_28 = arith.addf %get3A_22, %dot_general3A_27 : vector<1000x40xf32>
    %get3A_29 = arith.constant 0 : index
    %get3A_30 = arith.constant 0 : index
    %get3A_31 = vector.load %arg5[%get3A_29, %get3A_30] : memref<1x40xf32, #tpu.memory_space<vmem>>, vector<1x40xf32>
    %add3A_32 = vector.broadcast %get3A_31 : vector<1x40xf32> to vector<1000x40xf32>
    %add3A_33 = arith.addf %add3A_28, %add3A_32 : vector<1000x40xf32>
    %get3A_34 = arith.constant 0 : index
    %get3A_35 = arith.constant 0 : index
    %get3A_36 = vector.load %arg7[%get3A_34, %get3A_35] : memref<1x40xf32, #tpu.memory_space<vmem>>, vector<1x40xf32>
    %add3A_37 = vector.broadcast %get3A_36 : vector<1x40xf32> to vector<1000x40xf32>
    %add3A_38 = arith.addf %add3A_33, %add3A_37 : vector<1000x40xf32>
    %swap3A = arith.constant 0 : index
    %swap3A_39 = arith.constant 0 : index
    %swap3A_40 = vector.load %arg9[%swap3A, %swap3A_39] : memref<1000x40xf32, #tpu.memory_space<vmem>>, vector<1000x40xf32>
    tpu.vector_store %arg9[%swap3A, %swap3A_39], %add3A_38 {strides = array<i32>} : memref<1000x40xf32, #tpu.memory_space<vmem>>, vector<1000x40xf32>,
    %get3A_41 = arith.constant 0 : index
    %get3A_42 = arith.constant 0 : index
    %get3A_43 = vector.load %arg6[%get3A_41, %get3A_42] : memref<128x48xf32, #tpu.memory_space<vmem>>, vector<128x48xf32>
    %dot_general3A_44 = arith.constant dense<0.000000e+00> : vector<1000x48xf32>
    %dot_general3A_45 = tpu.matmul %max3A_19, %get3A_43, %dot_general3A_44 {dimension_numbers = #tpu.dot_dimension_numbers<[1], [0], [0], [1], [0, 0, 1, 1], [], []>, transpose_lhs_hint = false} : vector<1000x128xf32>, vector<128x48xf32>, vector<1000x48xf32> -> vector<1000x48xf32>
    %swap3A_46 = arith.constant 0 : index
    %swap3A_47 = arith.constant 0 : index
    %swap3A_48 = vector.load %arg10[%swap3A_46, %swap3A_47] : memref<1000x48xf32, #tpu.memory_space<vmem>>, vector<1000x48xf32>
    tpu.vector_store %arg10[%swap3A_46, %swap3A_47], %dot_general3A_45 {strides = array<i32>} : memref<1000x48xf32, #tpu.memory_space<vmem>>, vector<1000x48xf32>,
    return
  }
  func.func @transform_0(%arg0: i32) -> (i32, i32, i32) {
    %c0_i32 = arith.constant 0 : i32
    %c0_i32_0 = arith.constant 0 : i32
    %c0_i32_1 = arith.constant 0 : i32
    return %c0_i32, %arg0, %c0_i32_0 : i32, i32, i32
  }
  func.func @transform_1(%arg0: i32) -> (i32, i32) {
    %c0_i32 = arith.constant 0 : i32
    %c0_i32_0 = arith.constant 0 : i32
    %c0_i32_1 = arith.constant 0 : i32
    return %c0_i32, %c0_i32_0 : i32, i32
  }
  func.func @transform_2(%arg0: i32) -> (i32, i32) {
    %c0_i32 = arith.constant 0 : i32
    %c0_i32_0 = arith.constant 0 : i32
    %c0_i32_1 = arith.constant 0 : i32
    return %c0_i32, %c0_i32_0 : i32, i32
  }
  func.func @transform_3(%arg0: i32) -> (i32, i32) {
    %c0_i32 = arith.constant 0 : i32
    %c0_i32_0 = arith.constant 0 : i32
    %c0_i32_1 = arith.constant 0 : i32
    return %c0_i32, %c0_i32_0 : i32, i32
  }
  func.func @transform_4(%arg0: i32) -> (i32, i32) {
    %c0_i32 = arith.constant 0 : i32
    %c0_i32_0 = arith.constant 0 : i32
    %c0_i32_1 = arith.constant 0 : i32
    return %c0_i32, %c0_i32_0 : i32, i32
  }
  func.func @transform_5(%arg0: i32) -> (i32, i32) {
    %c0_i32 = arith.constant 0 : i32
    %c0_i32_0 = arith.constant 0 : i32
    %c0_i32_1 = arith.constant 0 : i32
    return %c0_i32, %c0_i32_0 : i32, i32
  }
  func.func @transform_6(%arg0: i32) -> (i32, i32) {
    %c0_i32 = arith.constant 0 : i32
    %c0_i32_0 = arith.constant 0 : i32
    %c0_i32_1 = arith.constant 0 : i32
    return %c0_i32, %c0_i32_0 : i32, i32
  }
  func.func @transform_7(%arg0: i32) -> (i32, i32) {
    %c0_i32 = arith.constant 0 : i32
    %c0_i32_0 = arith.constant 0 : i32
    return %arg0, %c0_i32 : i32, i32
  }
  func.func @transform_8(%arg0: i32) -> (i32, i32) {
    %c0_i32 = arith.constant 0 : i32
    %c0_i32_0 = arith.constant 0 : i32
    return %arg0, %c0_i32 : i32, i32
  }
  func.func @transform_9(%arg0: i32) -> (i32, i32) {
    %c0_i32 = arith.constant 0 : i32
    %c0_i32_0 = arith.constant 0 : i32
    return %arg0, %c0_i32 : i32, i32
  }
}

module attributes {stable_mosaic.version = 14 : i64} {
  func.func @body(%arg0: i32, %arg1: memref<2x1000x48xf32, #tpu.memory_space<vmem>>, %arg2: memref<1000x40xf32, #tpu.memory_space<vmem>>, %arg3: memref<1000x40xf32, #tpu.memory_space<vmem>>) attributes {dimension_semantics = [#tpu.dimension_semantics<arbitrary>], iteration_bounds = array<i64: 10>, scalar_prefetch = 0 : i64, scratch_operands = 0 : i64, tpu.core_type = #tpu.core_type<tc>, window_params = [{transform_indices = @transform_0, window_bounds = array<i64: 2, 1000, 48>}, {transform_indices = @transform_1, window_bounds = array<i64: 1000, 40>}, {transform_indices = @transform_2, window_bounds = array<i64: 1000, 40>}]} {
    %get3A = arith.constant 0 : index
    %get3A_0 = arith.constant 0 : index
    %get3A_1 = arith.constant 0 : index
    %get3A_2 = vector.load %arg1[%get3A, %get3A_0, %get3A_1] : memref<2x1000x48xf32, #tpu.memory_space<vmem>>, vector<1x1000x48xf32>
    %get3A_3 = vector.shape_cast %get3A_2 : vector<1x1000x48xf32> to vector<1000x48xf32>
    %slice3A = vector.extract_strided_slice %get3A_3 {offsets = [0, 0], sizes = [1000, 40], strides = [1, 1]} : vector<1000x48xf32> to vector<1000x40xf32>
    %get3A_4 = arith.constant 1 : index
    %get3A_5 = arith.constant 0 : index
    %get3A_6 = arith.constant 0 : index
    %get3A_7 = vector.load %arg1[%get3A_4, %get3A_5, %get3A_6] : memref<2x1000x48xf32, #tpu.memory_space<vmem>>, vector<1x1000x48xf32>
    %get3A_8 = vector.shape_cast %get3A_7 : vector<1x1000x48xf32> to vector<1000x48xf32>
    %slice3A_9 = vector.extract_strided_slice %get3A_8 {offsets = [0, 0], sizes = [1000, 40], strides = [1, 1]} : vector<1000x48xf32> to vector<1000x40xf32>
    %add3A = arith.addf %slice3A, %slice3A_9 : vector<1000x40xf32>
    %get3A_10 = arith.constant 0 : index
    %get3A_11 = arith.constant 0 : index
    %get3A_12 = vector.load %arg2[%get3A_10, %get3A_11] : memref<1000x40xf32, #tpu.memory_space<vmem>>, vector<1000x40xf32>
    %add3A_13 = arith.addf %add3A, %get3A_12 : vector<1000x40xf32>
    %swap3A = arith.constant 0 : index
    %swap3A_14 = arith.constant 0 : index
    %swap3A_15 = vector.load %arg3[%swap3A, %swap3A_14] : memref<1000x40xf32, #tpu.memory_space<vmem>>, vector<1000x40xf32>
    tpu.vector_store %arg3[%swap3A, %swap3A_14], %add3A_13 {strides = array<i32>} : memref<1000x40xf32, #tpu.memory_space<vmem>>, vector<1000x40xf32>,
    return
  }
  func.func @transform_0(%arg0: i32) -> (i32, i32, i32) {
    %c0_i32 = arith.constant 0 : i32
    %c0_i32_0 = arith.constant 0 : i32
    %c0_i32_1 = arith.constant 0 : i32
    return %c0_i32, %arg0, %c0_i32_0 : i32, i32, i32
  }
  func.func @transform_1(%arg0: i32) -> (i32, i32) {
    %c0_i32 = arith.constant 0 : i32
    %c0_i32_0 = arith.constant 0 : i32
    return %arg0, %c0_i32 : i32, i32
  }
  func.func @transform_2(%arg0: i32) -> (i32, i32) {
    %c0_i32 = arith.constant 0 : i32
    %c0_i32_0 = arith.constant 0 : i32
    return %arg0, %c0_i32 : i32, i32
  }
}

</mosaic_0001>

<sc_bundles>
// kernel: kernel.11.cloned.1.call-start
scs
__scs_entry_jumppad:
0x0: {  	(pc) =	sbr.rel $0x88, $3  }
0x1: {  	(tag) =	ssettag $0x0;
	lr =	simm.s32 $0x1  }
0x2: {  	[smem:$0x3F95] =	sst lr;
	_ =	strace $0xD0000000  }
0x3: {  	_ = 	snop  }
0x4: {  	_ = 	snop  }
0x5: {  	_ = 	snop  }
0x6: {  	_ = 	snop  }
0x7: {  	_ = 	snop  }
__scs_overlays_trampoline_lowered:
0x8: {  	[smem:$0x3FA4] =	sst s0  }
0x9: {  	[smem:$0x3FA5] =	sst s1  }
0xa: {  	[smem:$0x3FA6] =	sst s2  }
0xb: {  	[smem:$0x3FA7] =	sst s3  }
0xc: {  	[smem:$0x3FA8] =	sst s4  }
0xd: {  	[smem:$0x3FA9] =	sst s5  }
0xe: {  	[smem:$0x3FAA] =	sst s6  }
0xf: {  	[smem:$0x3FAB] =	sst s7  }
0x10: {  	[smem:$0x3FAC] =	sst s8  }
0x11: {  	[smem:$0x3FAD] =	sst s9;
	s0 =	simm.s32 @!p0 $0x0  }
0x12: {  	s1 =	sld [smem:$0x3F93];
	s0 =	simm.s32 @p0 $0x1  }
0x13: {  	[smem:$0x3FAE] =	sst s0;
	s0 =	simm.s32 @!p1 $0x0  }
0x14: {  	s2 =	sld [smem:$0x3F92];
	s0 =	simm.s32 @p1 $0x1  }
0x15: {  	[smem:$0x3FAF] =	sst s0;
	s0 =	simm.s32 @!p2 $0x0  }
0x16: {  	s3 =	sld [smem:$0x3FDB];
	s0 =	simm.s32 @p2 $0x1  }
0x17: {  	s4 =	simm.s32 $0x1BF5;
	[smem:$0x3FB1] =	sst s0  }
0x18: {  	s0 =	sld [smem:$0x3F94];
	_ =	swait.ge [sflag:s4], $0x0  }
0x19: {  	s7 =	sld [smem:$0x3F95]  }
0x1a: {  	s8 =	sadd.s32 $0xFFFFE003, lr  }
0x1b: {  	s9 =	sadd.s32 $0xFFFFFEF7, lr;
	s5 =	simm.s32 $0xFFFFFFFF;
	p2 =	slt.u32 s8, $0xFFFFF086  }
0x1c: {  	p1 =	slt.u32 s9, $0xF7A;
	s5 =	simm.s32 @!p2 $0x0  }
0x1d: {  	s5 =	simm.s32 @p1 $0x1;
	p0 =	seq.s32 s7, s2  }
0x1e: {  	s7 =	smul.u32 @!p0 $0xF7A, s2;
	p2 =	seq.s32 @!p0 s5, $0x0  }
0x1f: {  	s9 =	smul.u32 $0xF7A, s1;
	s8 =	simm.s32 @!p0 $0x1BF5;
	p2 =	por !p2, p0  }
0x20: {  	[sflag:s8] =	ssyncset.s32 @!p0 $0xFFFFF086;
	s6 =	sadd.s32 @!p0 s3, s7;
	s7 =	simm.s32 @!p0 $0x108  }
0x21: {  	s3 =	sadd.s32 s3, s9;
	s6 =	sadd.s32 @!p0 $0x88, s6;
	s7 =	simm.s32 @p2 $0x1082  }
0x22: {  	[simem:s7], [sflag:s8] =	dma.local @!p0 [hbm:s6], $0xF7A  }
0x23: {  	s9 =	sor.u32 $0xD0000000, s2;
	s6 =	simm.s32 $0x108;
	_ =	swait.ge @!p0 [sflag:s8], $0x0  }
0x24: {  	s3 =	sadd.s32 $0x88, s3;
	s6 =	simm.s32 @!p1 $0x1082;
	[sflag:s4] =	ssyncset.s32 $0xFFFFF086  }
0x25: {  	[simem:s6], [sflag:s4] =	dma.local [hbm:s3], $0xF7A  }
0x26: {  	[smem:$0x3F95] =	sst s1;
	(tag) =	ssettag s2;
	_ =	strace s9  }
0x27: {  	s1 =	sld [smem:$0x3FA5]  }
0x28: {  	s2 =	sld [smem:$0x3FA6]  }
0x29: {  	s4 =	sld [smem:$0x3FA8]  }
0x2a: {  	p0 =	seq.s32 s5, $0x0;
	s5 =	sld [smem:$0x3FA9]  }
0x2b: {  	s6 =	sld [smem:$0x3FAA]  }
0x2c: {  	s7 =	sld [smem:$0x3FAB]  }
0x2d: {  	s3 =	simm.s32 $0x108;
	s8 =	sld [smem:$0x3FAC]  }
0x2e: {  	s3 =	simm.s32 @!p0 $0x1082;
	s9 =	sld [smem:$0x3FAD]  }
0x2f: {  	lr =	sadd.s32 s0, s3;
	s0 =	sld [smem:$0x3FA4]  }
0x30: {  	s3 =	sld [smem:$0x3FA7]  }
0x31: {  	[smem:$0x3FB0] =	sst s10  }
0x32: {  	s10 =	sld [smem:$0x3FAE];
	_ =	sdelay $0x3  }
0x33: {  	p0 =	seq.s32 s10, $0x1;
	s10 =	sld [smem:$0x3FB0];
	_ =	sdelay $0x3  }
0x34: {  	[smem:$0x3FB0] =	sst s10  }
0x35: {  	s10 =	sld [smem:$0x3FAF];
	_ =	sdelay $0x3  }
0x36: {  	p1 =	seq.s32 s10, $0x1;
	s10 =	sld [smem:$0x3FB0];
	_ =	sdelay $0x3  }
0x37: {  	[smem:$0x3FB0] =	sst s10  }
0x38: {  	s10 =	sld [smem:$0x3FB1]  }
0x39: {  	_ = 	snop;
	(pc) =	sbr.ind lr, $3  }
0x3a: {  	_ = 	snop  }
0x3b: {  	_ = 	snop  }
0x3c: {  	p2 =	seq.s32 s10, $0x1;
	s10 =	sld [smem:$0x3FB0]  }
0x3d: {  	_ =	shalt  }
0x3e: {  	_ =	shalt  }
0x3f: {  	_ =	shalt  }
0x40: {  	_ =	shalt  }
0x41: {  	_ =	shalt  }
0x42: {  	_ =	shalt  }
0x43: {  	_ =	shalt  }
0x44: {  	_ =	shalt  }
0x45: {  	_ =	shalt  }
0x46: {  	_ =	shalt  }
0x47: {  	_ =	shalt  }
0x48: {  	_ =	shalt  }
0x49: {  	_ =	shalt  }
0x4a: {  	_ =	shalt  }
0x4b: {  	_ =	shalt  }
0x4c: {  	_ =	shalt  }
0x4d: {  	_ =	shalt  }
0x4e: {  	_ =	shalt  }
0x4f: {  	_ =	shalt  }
0x50: {  	_ =	shalt  }
0x51: {  	_ =	shalt  }
0x52: {  	_ =	shalt  }
0x53: {  	_ =	shalt  }
0x54: {  	_ =	shalt  }
0x55: {  	_ =	shalt  }
0x56: {  	_ =	shalt  }
0x57: {  	_ =	shalt  }
0x58: {  	_ =	shalt  }
0x59: {  	_ =	shalt  }
0x5a: {  	_ =	shalt  }
0x5b: {  	_ =	shalt  }
0x5c: {  	_ =	shalt  }
0x5d: {  	_ =	shalt  }
0x5e: {  	_ =	shalt  }
0x5f: {  	_ =	shalt  }
0x60: {  	_ =	shalt  }
0x61: {  	_ =	shalt  }
0x62: {  	_ =	shalt  }
0x63: {  	_ =	shalt  }
0x64: {  	_ =	shalt  }
0x65: {  	_ =	shalt  }
0x66: {  	_ =	shalt  }
0x67: {  	_ =	shalt  }
0x68: {  	_ =	shalt  }
0x69: {  	_ =	shalt  }
0x6a: {  	_ =	shalt  }
0x6b: {  	_ =	shalt  }
0x6c: {  	_ =	shalt  }
0x6d: {  	_ =	shalt  }
0x6e: {  	_ =	shalt  }
0x6f: {  	_ =	shalt  }
0x70: {  	_ =	shalt  }
0x71: {  	_ =	shalt  }
0x72: {  	_ =	shalt  }
0x73: {  	_ =	shalt  }
0x74: {  	_ =	shalt  }
0x75: {  	_ =	shalt  }
0x76: {  	_ =	shalt  }
0x77: {  	_ =	shalt  }
0x78: {  	_ =	shalt  }
0x79: {  	_ =	shalt  }
0x7a: {  	_ =	shalt  }
0x7b: {  	_ =	shalt  }
0x7c: {  	_ =	shalt  }
0x7d: {  	_ =	shalt  }
0x7e: {  	_ =	shalt  }
0x7f: {  	_ =	shalt  }
0x80: {  	_ =	shalt  }
0x81: {  	_ =	shalt  }
0x82: {  	_ =	shalt  }
0x83: {  	_ =	shalt  }
0x84: {  	_ =	shalt  }
0x85: {  	_ =	shalt  }
0x86: {  	_ =	shalt  }
0x87: {  	_ =	shalt  }
.Lfunc_end0:
.L_simem_size_0:
called_computation.1_lowered:
.L_overlay_start_0:
0x88: {  	s2 =	sld [smem:$0x3FD9]  }
0x89: {  	s3 =	sld [smem:$0x3FFE];
	_ =	sdelay $0x1  }
0x8a: {  	s1 =	srdreg.scid  }
0x8b: {  	s0 =	sand.u32 $0x1, s1  }
0x8c: {  	s17 =	sshll.u32 s0, $0xA;
	s2 =	sadd.s32 s3, s2  }
0x8d: {  	s2 =	sadd.s32 s2, s17  }
0x8e: {  	[smem:$0x3FBC] =	sst s2  }
0x8f: {  	_ = 	snop  }
0x90: {  	s2 =	sld [smem:$0x3FD0];
	(tm) =	ssettm $0x1  }
0x91: {  	s18 =	sld [smem:$0x3FFB];
	_ =	sdelay $0x3  }
0x92: {  	_ =	strace s18  }
0x93: {  	s3 =	sld [smem:$0x3FFC];
	_ =	sdelay $0x3  }
0x94: {  	_ =	strace s3  }
0x95: {  	s3 =	sld [smem:$0x3FFD];
	_ =	sdelay $0x3  }
0x96: {  	_ =	strace s3  }
0x97: {  	_ =	strace $0x8FFFFFFF  }
0x98: {  	s19 =	sld [smem:$0x3FDB];
	_ =	sdelay $0x1  }
0x99: {  	s4 =	simm.s32 $_scs_section_size  }
0x9a: {  	s5 =	simm.s32 $_size__tile_overlayer_lowered;
	s6 =	simm.s32 $_tile_overlayer_lowered  }
0x9b: {  	s22 =	simm.s32 $0x1BFF;
	s21 =	sshll.u32 s6, $0x1;
	s3 =	sadd.s32 s4, s19  }
0x9c: {  	s7 =	simm.s32 $0x0;
	s20 =	sshll.u32 s5, $0x1;
	s5 =	sadd.s32 s21, s3  }
0x9d: {  	[timem:s7], [sflag:s22] =	dma.local [hbm:s5], s20  }
0x9e: {  	_ =	swait.ge [sflag:s22], s20  }
0x9f: {  	s4 =	ssub.s32 $0x0, s20;
	[sflag:s22] =	ssyncset.done $0x0  }
0xa0: {  	[sflag:s22] =	ssyncadd.s32 s4;
	_ =	sdelay $0x1  }
0xa1: {  	s23 =	simm.s32 $0x1B8B  }
0xa2: {  	_ =	swait.ge [sflag:s23], $0x1  }
0xa3: {  	[sflag:s23] =	ssyncset.done $0x0  }
0xa4: {  	s25 =	simm.s32 $0x1B8E;
	s24 =	sld [smem:$0x3FFE];
	[sflag:s23] =	ssyncadd.s32 $0xFFFFFFFF  }
0xa5: {  	s26 =	simm.s32 $execute0_lowered;
	[smem:$0x3FD2] =	sst s25  }
0xa6: {  	s5 =	sshll.u32 s26, $0x1;
	_ =	strace $0x80000049;
	[dreg:$0x1] =	wrdreg $0xFFFFFFFF  }
0xa7: {  	s28 =	simm.s32 $_size_execute0_lowered;
	s3 =	sadd.s32 s3, s5;
	[dreg:$0x0] =	wrdreg $0x0  }
0xa8: {  	s5 =	sshll.u32 s28, $0x1;
	[dreg:$0x2] =	wrdreg s3  }
0xa9: {  	[dreg:$0x3] =	wrdreg s5  }
0xaa: {  	[dreg:$0x4] =	wrdreg $0xC0  }
0xab: {  	_ =	task [dreg:s7], $0x5FFFF  }
0xac: {  	[dreg:$0x1] =	wrdreg $0xFFFFFFFF  }
0xad: {  	[dreg:$0x0] =	wrdreg $0x60  }
0xae: {  	[dreg:$0x2] =	wrdreg s24  }
0xaf: {  	[dreg:$0x3] =	wrdreg s2  }
0xb0: {  	[dreg:$0x4] =	wrdreg $0xB2200  }
0xb1: {  	[dreg:$0x5] =	wrdreg $0x9  }
0xb2: {  	_ =	task.clear_ibuf [dreg:s7], $0x6FFFF;
	_ =	strace $0x90000049  }
0xb3: {  	s29 =	simm.s32 $0x9;
	_ =	strace $0x8000004B  }
0xb4: {  	_ =	swait.ge [sflag:s29], $0x1  }
0xb5: {  	[sflag:s29] =	ssyncadd.s32 $0xFFFFFFFF  }
0xb6: {  	_ =	strace $0x9000004B  }
0xb7: {  	_ =	sfence  }
0xb8: {  	s30 =	sld [smem:$0x0];
	_ =	sdelay $0x2  }
0xb9: {  	s31 =	sshll.u32 s1, $0xD;
	s1 =	sshrl.u32 s1, $0x2  }
0xba: {  	s3 =	sand.u32 $0x4000, s31;
	s1 =	sadd.s32 s1, s30  }
0xbb: {  	s0 =	sor.u32 s3, s0;
	s1 =	sshll.u32 s1, $0x11  }
0xbc: {  	s0 =	sor.u32 s1, s0  }
0xbd: {  	s0 =	sadd.s32 $0x8F2B, s0  }
0xbe: {  	[sflag:s0] =	ssyncadd.remote.s32 $0x1  }
0xbf: {  	_ =	sfence.sel $0xFFFF  }
0xc0: {  	[dreg:$0x0] =	wrdreg $0xFFFFFFFF;
	(pc) =	sbr.abs _section_cstart, $3  }
0xc1: {  	[dreg:$0x1] =	wrdreg $0xFFFFFFFF  }
0xc2: {  	_ =	task.clear_ibuf [dreg:s7], $0x2FFFF;
	_ =	strace $0x9FFFFFFF  }
0xc3: {  	(tm) =	ssettm $0x7FFFFFFF  }
tec
execute0_lowered:
.L_overlay_start_1:
0x0: {  	(tag) =	ssettag $0x1  }
0x1: {  	s6 =	rddreg [dreg:$0x0]  }
0x2: {  	s9 =	rddreg [dreg:$0x1]  }
0x3: {  	s2 =	rddreg [dreg:$0x2]  }
0x4: {  	s0 =	rddreg [dreg:$0x3];
	s3 =	simm.s32 $0x0;
	s1 =	stileid.u32  }
0x5: {  	s5 =	srdreg.scid;
	s14 =	simm.s32 $0xC8;
	s15 =	simm.s32 $0x4E20  }
0x6: {  	s16 =	simm.s32 $0x2;
	s18 =	simm.s32 $0x0;
	s4 =	smul.u32 $0x2710, s1  }
0x7: {  	[smem:$0x7FF] =	sst s3;
	s7 =	smul.u32 $0x4E2, s1;
	s5 =	sand.u32 $0x1, s5  }
0x8: {  	s8 =	smul.u32 $0x13880, s1;
	s17 =	sshll.u32 s1, $0x6;
	p0 =	seq.s32 s5, $0x0  }
0x9: {  	s28 =	smul.u32 $0x138800, s5;
	_ =	strace $0x8000004A;
	s12 =	ssub.s32 $0x2, s5  }
0xa: {  	s5 =	sadd.s32 $0xE600, s6;
	s4 =	sshrl.u32 s4, $0x3;
	s13 =	sshrl.u32 s12, $0x1  }
0xb: {  	s31 =	sadd.s32 s8, s2;
	s10 =	sadd.s32 $0x4E20, s4;
	s29 =	sadd.s32 s28, s8  }
0xc: {  	s4 =	sadd.s32 $0xBE00, s6;
	s30 =	ssub.s32 s12, s13;
	s12 =	sshrl.u32 s31, $0x3  }
0xd: {  	s13 =	simm.s32 $0x1;
	s10 =	smov.u32 @p0 s7;
	s7 =	sshrl.u32 s29, $0x3  }
0xe: {  	s11 =	sadd.s32 s10, s6;
	s7 =	sadd.s32 s7, s6;
	s6 =	smax.u32 s30, $0x1  }
0xf: {  	s9 =	sadd.s32 s9, s10;
	s10 =	sor.u32 $0x1C01, s17;
	s17 =	sor.u32 $0x1C02, s17  }
0x10: {  	s7 =	sadd.s32 $0x35800, s7;
	s8 =	sadd.s32 $0x2000, s11;
	s11 =	simm.s32 $0x2710  }
.LBB2_1:
0x11: {  	[tilespmem:s3], [sflag:$0x1] =	stream.linear.gather [hbm4b:s8+s3], $0x2710, $0x38;
	[tilespmem:$0x1EAA0] =	vst v63  }
0x12: {  	_ = 	snop  }
0x13: {  	[tilespmem:s11], [sflag:$0x1] =	stream.linear.gather [hbm4b:s9+s3], $0x2710, $0x38;
	[tilespmem:$0x1EAA0] =	vst v63  }
0x14: {  	[spmem:s12], [sflag:s10] =	dma.local [hbm:s4], $0x2710  }
0x15: {  	_ =	swait.ge [sflag:s13], $0x2710  }
0x16: {  	[sflag:s13] =	ssyncset.done $0x0  }
0x17: {  	[sflag:s13] =	ssyncadd.s32 $0xFFFFD8F0  }
0x18: {  	_ =	swait.ge [sflag:s13], $0x2710  }
0x19: {  	[sflag:s13] =	ssyncset.done $0x0  }
0x1a: {  	[sflag:s13] =	ssyncadd.s32 $0xFFFFD8F0  }
0x1b: {  	_ =	swait.ge [sflag:s13], $0x2710  }
0x1c: {  	[sflag:s13] =	ssyncset.done $0x0  }
0x1d: {  	[sflag:s13] =	ssyncadd.s32 $0xFFFFD8F0  }
0x1e: {  	s19 =	simm.s32 $0x0;
	[bflag:$0x0] =	sbarrier.arrive $0xFFFF  }
0x1f: {  	[tilespmem:s15], [sflag:$0x1] =	stream.indirect.gather [hbm4b:s5+s14], $0x80, s19, s14, $0xb8;
	[tilespmem:$0x1EAA0] =	vst v63  }
0x20: {  	_ =	swait.ge [sflag:s13], $0x6400  }
0x21: {  	[sflag:s13] =	ssyncset.done $0x0  }
0x22: {  	s31 =	simm.s32 $0x2710;
	[sflag:s13] =	ssyncadd.s32 $0xFFFF9C00  }
0x23: {  	[spmem:s2] =	stream.indirect.scatter.add.f32 [tilespmem:s15], [sflag:$0x2], $0x80, s31, s14, $0xb8;
	[tilespmem:$0x1EAA0] =	vst v63  }
0x24: {  	_ =	swait.ge [sflag:s16], $0x6400  }
0x25: {  	s20 =	simm.s32 $0x640;
	s19 =	simm.s32 $0x320;
	[sflag:s16] =	ssyncset.done $0x0  }
.LBB2_2:
0x26: {  	s21 =	sshra.s32 s19, $0x2  }
0x27: {  	[sflag:s16] =	ssyncadd.s32 $0xFFFF9C00;
	s19 =	smov.u32 s20;
	s22 =	sadd.s32 $0x320, s20  }
0x28: {  	[tilespmem:s15], [sflag:$0x1] =	stream.indirect.gather [hbm4b:s5+s14], $0x80, s21, s14, $0xb8;
	[tilespmem:$0x1EAA0] =	vst v63  }
0x29: {  	p0 =	sne.s32 s20, $0x9920;
	_ =	swait.ge [sflag:s13], $0x6400  }
.Ltmp0:
0x2a: {  	[sflag:s13] =	ssyncset.done $0x0;
	(pc) =	sbr.rel @p0 .LBB2_2-.Ltmp0, $4  }
0x2b: {  	s20 =	sadd.s32 $0x2710, s21;
	[sflag:s13] =	ssyncadd.s32 $0xFFFF9C00  }
0x2c: {  	[spmem:s2] =	stream.indirect.scatter.add.f32 [tilespmem:s15], [sflag:$0x2], $0x80, s20, s14, $0xb8;
	[tilespmem:$0x1EAA0] =	vst v63  }
0x2d: {  	_ =	swait.ge [sflag:s16], $0x6400  }
0x2e: {  	s20 =	smov.u32 s22;
	[sflag:s16] =	ssyncset.done $0x0  }
0x2f: {  	s19 =	sshra.s32 s19, $0x2;
	[sflag:s16] =	ssyncadd.s32 $0xFFFF9C00  }
0x30: {  	[tilespmem:s15], [sflag:$0x1] =	stream.indirect.gather [hbm4b:s5+s14], $0x80, s19, s14, $0xb8;
	[tilespmem:$0x1EAA0] =	vst v63  }
0x31: {  	_ =	swait.ge [sflag:s13], $0x6400  }
0x32: {  	[sflag:s13] =	ssyncset.done $0x0  }
0x33: {  	s19 =	sadd.s32 $0x2710, s19;
	[sflag:s13] =	ssyncadd.s32 $0xFFFF9C00  }
0x34: {  	[spmem:s2] =	stream.indirect.scatter.add.f32 [tilespmem:s15], [sflag:$0x2], $0x80, s19, s14, $0xb8;
	[tilespmem:$0x1EAA0] =	vst v63  }
0x35: {  	_ =	swait.ge [sflag:s16], $0x6400  }
0x36: {  	s18 =	sadd.s32 $0x1, s18;
	[sflag:s16] =	ssyncset.done $0x0  }
0x37: {  	p0 =	sne.s32 s18, s6;
	[sflag:s16] =	ssyncadd.s32 $0xFFFF9C00  }
.Ltmp1:
0x38: {  	[bflag:$0x0] =	sbarrier.arrive $0xFFFF;
	(pc) =	sbr.rel @p0 .LBB2_1-.Ltmp1, $4  }
0x39: {  	[hbm:s7], [sflag:s17] =	dma.local [spmem:s12], $0x2710  }
0x3a: {  	_ =	swait.ge [sflag:s16], $0x2710  }
0x3b: {  	[sflag:s16] =	ssyncset.done $0x0  }
0x3c: {  	[sflag:s16] =	ssyncadd.s32 $0xFFFFD8F0  }
0x3d: {  	_ =	sfence.sel $0x180000  }
0x3e: {  	[bflag:$0x0] =	sbarrier.arrive $0xFFFF  }
0x3f: {  	p0 =	sne.s32 s1, $0x0;
	_ =	strace $0x9000004A  }
0x40: {  	s0 =	sadd.s32 @!p0 $0x100000, s0;
	[bflag:$0x2] =	sbarrier.arrive $0xFFFF  }
0x41: {  	[sflag:s0] =	ssyncadd.tile.s32 @!p0 $0x1;
	_ =	shalt  }
.Lfunc_end2:
_tile_overlayer_lowered:
.L_overlay_start_2:
0x42: {  	(tag) =	ssettag $0x2  }
0x43: {  	s0 =	rddreg [dreg:$0x0];
	s2 =	stileid.u32  }
0x44: {  	s1 =	rddreg [dreg:$0x1];
	p0 =	sne.s32 s2, $0x0  }
0x45: {  	s3 =	rddreg [dreg:$0x2];
	[bflag:$0x3] =	sbarrier.arrive $0xFFFF;
	s2 =	simm.s32 @!p0 $0x1C02  }
0x46: {  	[timem:s3], [sflag:s2] =	dma.local @!p0 [hbm:s0], s1  }
0x47: {  	s0 =	simm.s32 @!p0 $0x2  }
0x48: {  	_ =	swait.ge @!p0 [sflag:s0], s1  }
0x49: {  	s1 =	ssub.s32 @!p0 $0x0, s1;
	[sflag:s0] =	ssyncset.done @!p0 $0x0  }
0x4a: {  	[sflag:s0] =	ssyncadd.s32 @!p0 s1  }
0x4b: {  	[bflag:$0x3] =	sbarrier.arrive $0xFFFF  }
0x4c: {  	_ =	shalt  }

// kernel: kernel.14.cloned.1.call-start
scs
__scs_entry_jumppad:
0x0: {  	(pc) =	sbr.rel $0x88, $3  }
0x1: {  	(tag) =	ssettag $0x0;
	lr =	simm.s32 $0x1  }
0x2: {  	[smem:$0x3F95] =	sst lr;
	_ =	strace $0xD0000000  }
0x3: {  	_ = 	snop  }
0x4: {  	_ = 	snop  }
0x5: {  	_ = 	snop  }
0x6: {  	_ = 	snop  }
0x7: {  	_ = 	snop  }
__scs_overlays_trampoline_lowered:
0x8: {  	[smem:$0x3FA4] =	sst s0  }
0x9: {  	[smem:$0x3FA5] =	sst s1  }
0xa: {  	[smem:$0x3FA6] =	sst s2  }
0xb: {  	[smem:$0x3FA7] =	sst s3  }
0xc: {  	[smem:$0x3FA8] =	sst s4  }
0xd: {  	[smem:$0x3FA9] =	sst s5  }
0xe: {  	[smem:$0x3FAA] =	sst s6  }
0xf: {  	[smem:$0x3FAB] =	sst s7  }
0x10: {  	[smem:$0x3FAC] =	sst s8  }
0x11: {  	[smem:$0x3FAD] =	sst s9;
	s0 =	simm.s32 @!p0 $0x0  }
0x12: {  	s1 =	sld [smem:$0x3F93];
	s0 =	simm.s32 @p0 $0x1  }
0x13: {  	[smem:$0x3FAE] =	sst s0;
	s0 =	simm.s32 @!p1 $0x0  }
0x14: {  	s2 =	sld [smem:$0x3F92];
	s0 =	simm.s32 @p1 $0x1  }
0x15: {  	[smem:$0x3FAF] =	sst s0;
	s0 =	simm.s32 @!p2 $0x0  }
0x16: {  	s3 =	sld [smem:$0x3FDB];
	s0 =	simm.s32 @p2 $0x1  }
0x17: {  	s4 =	simm.s32 $0x1BF5;
	[smem:$0x3FB1] =	sst s0  }
0x18: {  	s0 =	sld [smem:$0x3F94];
	_ =	swait.ge [sflag:s4], $0x0  }
0x19: {  	s7 =	sld [smem:$0x3F95]  }
0x1a: {  	s8 =	sadd.s32 $0xFFFFE003, lr  }
0x1b: {  	s9 =	sadd.s32 $0xFFFFFEF7, lr;
	s5 =	simm.s32 $0xFFFFFFFF;
	p2 =	slt.u32 s8, $0xFFFFF086  }
0x1c: {  	p1 =	slt.u32 s9, $0xF7A;
	s5 =	simm.s32 @!p2 $0x0  }
0x1d: {  	s5 =	simm.s32 @p1 $0x1;
	p0 =	seq.s32 s7, s2  }
0x1e: {  	s7 =	smul.u32 @!p0 $0xF7A, s2;
	p2 =	seq.s32 @!p0 s5, $0x0  }
0x1f: {  	s9 =	smul.u32 $0xF7A, s1;
	s8 =	simm.s32 @!p0 $0x1BF5;
	p2 =	por !p2, p0  }
0x20: {  	[sflag:s8] =	ssyncset.s32 @!p0 $0xFFFFF086;
	s6 =	sadd.s32 @!p0 s3, s7;
	s7 =	simm.s32 @!p0 $0x108  }
0x21: {  	s3 =	sadd.s32 s3, s9;
	s6 =	sadd.s32 @!p0 $0x88, s6;
	s7 =	simm.s32 @p2 $0x1082  }
0x22: {  	[simem:s7], [sflag:s8] =	dma.local @!p0 [hbm:s6], $0xF7A  }
0x23: {  	s9 =	sor.u32 $0xD0000000, s2;
	s6 =	simm.s32 $0x108;
	_ =	swait.ge @!p0 [sflag:s8], $0x0  }
0x24: {  	s3 =	sadd.s32 $0x88, s3;
	s6 =	simm.s32 @!p1 $0x1082;
	[sflag:s4] =	ssyncset.s32 $0xFFFFF086  }
0x25: {  	[simem:s6], [sflag:s4] =	dma.local [hbm:s3], $0xF7A  }
0x26: {  	[smem:$0x3F95] =	sst s1;
	(tag) =	ssettag s2;
	_ =	strace s9  }
0x27: {  	s1 =	sld [smem:$0x3FA5]  }
0x28: {  	s2 =	sld [smem:$0x3FA6]  }
0x29: {  	s4 =	sld [smem:$0x3FA8]  }
0x2a: {  	p0 =	seq.s32 s5, $0x0;
	s5 =	sld [smem:$0x3FA9]  }
0x2b: {  	s6 =	sld [smem:$0x3FAA]  }
0x2c: {  	s7 =	sld [smem:$0x3FAB]  }
0x2d: {  	s3 =	simm.s32 $0x108;
	s8 =	sld [smem:$0x3FAC]  }
0x2e: {  	s3 =	simm.s32 @!p0 $0x1082;
	s9 =	sld [smem:$0x3FAD]  }
0x2f: {  	lr =	sadd.s32 s0, s3;
	s0 =	sld [smem:$0x3FA4]  }
0x30: {  	s3 =	sld [smem:$0x3FA7]  }
0x31: {  	[smem:$0x3FB0] =	sst s10  }
0x32: {  	s10 =	sld [smem:$0x3FAE];
	_ =	sdelay $0x3  }
0x33: {  	p0 =	seq.s32 s10, $0x1;
	s10 =	sld [smem:$0x3FB0];
	_ =	sdelay $0x3  }
0x34: {  	[smem:$0x3FB0] =	sst s10  }
0x35: {  	s10 =	sld [smem:$0x3FAF];
	_ =	sdelay $0x3  }
0x36: {  	p1 =	seq.s32 s10, $0x1;
	s10 =	sld [smem:$0x3FB0];
	_ =	sdelay $0x3  }
0x37: {  	[smem:$0x3FB0] =	sst s10  }
0x38: {  	s10 =	sld [smem:$0x3FB1]  }
0x39: {  	_ = 	snop;
	(pc) =	sbr.ind lr, $3  }
0x3a: {  	_ = 	snop  }
0x3b: {  	_ = 	snop  }
0x3c: {  	p2 =	seq.s32 s10, $0x1;
	s10 =	sld [smem:$0x3FB0]  }
0x3d: {  	_ =	shalt  }
0x3e: {  	_ =	shalt  }
0x3f: {  	_ =	shalt  }
0x40: {  	_ =	shalt  }
0x41: {  	_ =	shalt  }
0x42: {  	_ =	shalt  }
0x43: {  	_ =	shalt  }
0x44: {  	_ =	shalt  }
0x45: {  	_ =	shalt  }
0x46: {  	_ =	shalt  }
0x47: {  	_ =	shalt  }
0x48: {  	_ =	shalt  }
0x49: {  	_ =	shalt  }
0x4a: {  	_ =	shalt  }
0x4b: {  	_ =	shalt  }
0x4c: {  	_ =	shalt  }
0x4d: {  	_ =	shalt  }
0x4e: {  	_ =	shalt  }
0x4f: {  	_ =	shalt  }
0x50: {  	_ =	shalt  }
0x51: {  	_ =	shalt  }
0x52: {  	_ =	shalt  }
0x53: {  	_ =	shalt  }
0x54: {  	_ =	shalt  }
0x55: {  	_ =	shalt  }
0x56: {  	_ =	shalt  }
0x57: {  	_ =	shalt  }
0x58: {  	_ =	shalt  }
0x59: {  	_ =	shalt  }
0x5a: {  	_ =	shalt  }
0x5b: {  	_ =	shalt  }
0x5c: {  	_ =	shalt  }
0x5d: {  	_ =	shalt  }
0x5e: {  	_ =	shalt  }
0x5f: {  	_ =	shalt  }
0x60: {  	_ =	shalt  }
0x61: {  	_ =	shalt  }
0x62: {  	_ =	shalt  }
0x63: {  	_ =	shalt  }
0x64: {  	_ =	shalt  }
0x65: {  	_ =	shalt  }
0x66: {  	_ =	shalt  }
0x67: {  	_ =	shalt  }
0x68: {  	_ =	shalt  }
0x69: {  	_ =	shalt  }
0x6a: {  	_ =	shalt  }
0x6b: {  	_ =	shalt  }
0x6c: {  	_ =	shalt  }
0x6d: {  	_ =	shalt  }
0x6e: {  	_ =	shalt  }
0x6f: {  	_ =	shalt  }
0x70: {  	_ =	shalt  }
0x71: {  	_ =	shalt  }
0x72: {  	_ =	shalt  }
0x73: {  	_ =	shalt  }
0x74: {  	_ =	shalt  }
0x75: {  	_ =	shalt  }
0x76: {  	_ =	shalt  }
0x77: {  	_ =	shalt  }
0x78: {  	_ =	shalt  }
0x79: {  	_ =	shalt  }
0x7a: {  	_ =	shalt  }
0x7b: {  	_ =	shalt  }
0x7c: {  	_ =	shalt  }
0x7d: {  	_ =	shalt  }
0x7e: {  	_ =	shalt  }
0x7f: {  	_ =	shalt  }
0x80: {  	_ =	shalt  }
0x81: {  	_ =	shalt  }
0x82: {  	_ =	shalt  }
0x83: {  	_ =	shalt  }
0x84: {  	_ =	shalt  }
0x85: {  	_ =	shalt  }
0x86: {  	_ =	shalt  }
0x87: {  	_ =	shalt  }
.Lfunc_end0:
.L_simem_size_0:
called_computation.2_lowered:
.L_overlay_start_0:
0x88: {  	s2 =	sld [smem:$0x3FD9]  }
0x89: {  	s3 =	sld [smem:$0x3FFE];
	_ =	sdelay $0x1  }
0x8a: {  	s1 =	srdreg.scid  }
0x8b: {  	s0 =	sand.u32 $0x1, s1  }
0x8c: {  	s17 =	sshll.u32 s0, $0xA;
	s2 =	sadd.s32 s3, s2  }
0x8d: {  	s2 =	sadd.s32 s2, s17  }
0x8e: {  	[smem:$0x3FBC] =	sst s2  }
0x8f: {  	_ = 	snop  }
0x90: {  	s2 =	sld [smem:$0x3FD0];
	(tm) =	ssettm $0x1  }
0x91: {  	s18 =	sld [smem:$0x3FFB];
	_ =	sdelay $0x3  }
0x92: {  	_ =	strace s18  }
0x93: {  	s3 =	sld [smem:$0x3FFC];
	_ =	sdelay $0x3  }
0x94: {  	_ =	strace s3  }
0x95: {  	s3 =	sld [smem:$0x3FFD];
	_ =	sdelay $0x3  }
0x96: {  	_ =	strace s3  }
0x97: {  	_ =	strace $0x8FFFFFFF  }
0x98: {  	s19 =	sld [smem:$0x3FDB];
	_ =	sdelay $0x1  }
0x99: {  	s4 =	simm.s32 $_scs_section_size  }
0x9a: {  	s5 =	simm.s32 $_size__tile_overlayer_lowered;
	s6 =	simm.s32 $_tile_overlayer_lowered  }
0x9b: {  	s22 =	simm.s32 $0x1BFF;
	s21 =	sshll.u32 s6, $0x1;
	s3 =	sadd.s32 s4, s19  }
0x9c: {  	s7 =	simm.s32 $0x0;
	s20 =	sshll.u32 s5, $0x1;
	s5 =	sadd.s32 s21, s3  }
0x9d: {  	[timem:s7], [sflag:s22] =	dma.local [hbm:s5], s20  }
0x9e: {  	_ =	swait.ge [sflag:s22], s20  }
0x9f: {  	s4 =	ssub.s32 $0x0, s20;
	[sflag:s22] =	ssyncset.done $0x0  }
0xa0: {  	[sflag:s22] =	ssyncadd.s32 s4;
	_ =	sdelay $0x1  }
0xa1: {  	s23 =	simm.s32 $0x1B8B  }
0xa2: {  	_ =	swait.ge [sflag:s23], $0x1  }
0xa3: {  	[sflag:s23] =	ssyncset.done $0x0  }
0xa4: {  	s25 =	simm.s32 $0x1B8E;
	s24 =	sld [smem:$0x3FFE];
	[sflag:s23] =	ssyncadd.s32 $0xFFFFFFFF  }
0xa5: {  	s26 =	simm.s32 $execute0_lowered;
	[smem:$0x3FD2] =	sst s25  }
0xa6: {  	s5 =	sshll.u32 s26, $0x1;
	_ =	strace $0x8000004C;
	[dreg:$0x1] =	wrdreg $0xFFFFFFFF  }
0xa7: {  	s28 =	simm.s32 $_size_execute0_lowered;
	s3 =	sadd.s32 s3, s5;
	[dreg:$0x0] =	wrdreg $0x0  }
0xa8: {  	s5 =	sshll.u32 s28, $0x1;
	[dreg:$0x2] =	wrdreg s3  }
0xa9: {  	[dreg:$0x3] =	wrdreg s5  }
0xaa: {  	[dreg:$0x4] =	wrdreg $0xC0  }
0xab: {  	_ =	task [dreg:s7], $0x5FFFF  }
0xac: {  	[dreg:$0x1] =	wrdreg $0xFFFFFFFF  }
0xad: {  	[dreg:$0x0] =	wrdreg $0x60  }
0xae: {  	[dreg:$0x2] =	wrdreg s24  }
0xaf: {  	[dreg:$0x3] =	wrdreg s2  }
0xb0: {  	[dreg:$0x4] =	wrdreg $0x109A00  }
0xb1: {  	[dreg:$0x5] =	wrdreg $0x17ED00  }
0xb2: {  	[dreg:$0x6] =	wrdreg $0x9  }
0xb3: {  	_ =	task.clear_ibuf [dreg:s7], $0x7FFFF;
	_ =	strace $0x9000004C  }
0xb4: {  	s29 =	simm.s32 $0x9;
	_ =	strace $0x8000004E  }
0xb5: {  	_ =	swait.ge [sflag:s29], $0x1  }
0xb6: {  	[sflag:s29] =	ssyncadd.s32 $0xFFFFFFFF  }
0xb7: {  	_ =	strace $0x9000004E  }
0xb8: {  	_ =	sfence  }
0xb9: {  	s30 =	sld [smem:$0x0];
	_ =	sdelay $0x2  }
0xba: {  	s31 =	sshll.u32 s1, $0xD;
	s1 =	sshrl.u32 s1, $0x2  }
0xbb: {  	s3 =	sand.u32 $0x4000, s31;
	s1 =	sadd.s32 s1, s30  }
0xbc: {  	s0 =	sor.u32 s3, s0;
	s1 =	sshll.u32 s1, $0x11  }
0xbd: {  	s0 =	sor.u32 s1, s0  }
0xbe: {  	s0 =	sadd.s32 $0x8F2B, s0  }
0xbf: {  	[sflag:s0] =	ssyncadd.remote.s32 $0x1  }
0xc0: {  	_ =	sfence.sel $0xFFFF  }
0xc1: {  	[dreg:$0x0] =	wrdreg $0xFFFFFFFF;
	(pc) =	sbr.abs _section_cstart, $3  }
0xc2: {  	[dreg:$0x1] =	wrdreg $0xFFFFFFFF  }
0xc3: {  	_ =	task.clear_ibuf [dreg:s7], $0x2FFFF;
	_ =	strace $0x9FFFFFFF  }
0xc4: {  	(tm) =	ssettm $0x7FFFFFFF  }
0xc5: {  	_ =	shalt  }
tec
execute0_lowered:
.L_overlay_start_1:
0x0: {  	(tag) =	ssettag $0x1  }
0x1: {  	s5 =	rddreg [dreg:$0x0]  }
0x2: {  	s6 =	rddreg [dreg:$0x1]  }
0x3: {  	s2 =	rddreg [dreg:$0x2];
	s0 =	stileid.u32  }
0x4: {  	s3 =	rddreg [dreg:$0x3];
	s7 =	smul.u32 $0x2710, s0  }
0x5: {  	s8 =	srdreg.scid;
	s9 =	smul.u32 $0x4E2, s0  }
0x6: {  	s4 =	simm.s32 $0x0;
	s30 =	sand.u32 $0x1, s8;
	s19 =	smul.u32 $0x7530, s0  }
0x7: {  	[smem:$0x7FF] =	sst s4;
	s11 =	sadd.s32 $0x1AA00, s5;
	s10 =	smul.u32 $0x75300, s30  }
0x8: {  	_ =	strace $0x8000004D;
	p0 =	seq.s32 s30, $0x0;
	[dreg:$0x5] =	wrdreg s11  }
0x9: {  	s7 =	sshrl.u32 s7, $0x3;
	s20 =	sshrl.u32 s19, $0x3;
	s8 =	sadd.s32 s19, s3  }
0xa: {  	s25 =	rddreg [dreg:$0x5];
	s7 =	sadd.s32 $0x4E20, s7;
	s10 =	sadd.s32 s19, s10  }
0xb: {  	s8 =	sshrl.u32 s8, $0x3;
	s7 =	smov.u32 @p0 s9;
	s9 =	sadd.s32 s20, s5  }
0xc: {  	s10 =	sshrl.u32 s10, $0x3;
	[dreg:$0xa] =	wrdreg s8;
	s9 =	sadd.s32 $0xBE00, s9  }
0xd: {  	s10 =	sadd.s32 s10, s5;
	s22 =	sadd.s32 s6, s7;
	[dreg:$0x6] =	wrdreg s9  }
0xe: {  	s5 =	sadd.s32 s7, s5;
	s21 =	sadd.s32 $0x1BA00, s10;
	[dreg:$0x9] =	wrdreg s22  }
0xf: {  	s5 =	sadd.s32 $0x2000, s5;
	[dreg:$0x7] =	wrdreg s21  }
0x10: {  	s31 =	sshll.u32 s0, $0x6;
	[dreg:$0x8] =	wrdreg s5  }
0x11: {  	s23 =	sadd.s32 s19, s2;
	s6 =	simm.s32 $0x2710;
	s24 =	rddreg [dreg:$0x8]  }
0x12: {  	[tilespmem:s4], [sflag:$0x1] =	stream.linear.gather [hbm4b:s24+s4], $0x2710, $0x38;
	[tilespmem:$0x1F400] =	vst v63  }
0x13: {  	s7 =	sshrl.u32 s23, $0x3;
	s5 =	sor.u32 $0x1C01, s31;
	s26 =	rddreg [dreg:$0x9]  }
0x14: {  	[tilespmem:s6], [sflag:$0x1] =	stream.linear.gather [hbm4b:s26+s4], $0x2710, $0x38;
	[tilespmem:$0x1F400] =	vst v63  }
0x15: {  	[spmem:s7], [sflag:s5] =	dma.local [hbm:s25], $0xEA6  }
0x16: {  	s9 =	rddreg [dreg:$0x6]  }
0x17: {  	s8 =	simm.s32 $0x1;
	s0 =	rddreg [dreg:$0xa]  }
0x18: {  	[spmem:s0], [sflag:s5] =	dma.local [hbm:s9], $0xEA6  }
0x19: {  	_ =	swait.ge [sflag:s8], $0x2710  }
0x1a: {  	[sflag:s8] =	ssyncset.done $0x0  }
0x1b: {  	[sflag:s8] =	ssyncadd.s32 $0xFFFFD8F0  }
0x1c: {  	_ =	swait.ge [sflag:s8], $0x2710  }
0x1d: {  	[sflag:s8] =	ssyncset.done $0x0  }
0x1e: {  	[sflag:s8] =	ssyncadd.s32 $0xFFFFD8F0  }
0x1f: {  	_ =	swait.ge [sflag:s8], $0xEA6  }
0x20: {  	[sflag:s8] =	ssyncset.done $0x0  }
0x21: {  	[sflag:s8] =	ssyncadd.s32 $0xFFFFF15A  }
0x22: {  	_ =	swait.ge [sflag:s8], $0xEA6  }
0x23: {  	[sflag:s8] =	ssyncset.done $0x0  }
0x24: {  	[sflag:s8] =	ssyncadd.s32 $0xFFFFF15A  }
0x25: {  	s10 =	simm.s32 $0x4E20;
	s9 =	simm.s32 $0x3E8;
	[bflag:$0x0] =	sbarrier.arrive $0xFFFF  }
0x26: {  	[tilespmem:s10], [sflag:$0x1] =	stream.indirect.gather [spmem:s3], $0x30, s4, s9, $0xb8;
	[tilespmem:$0x1F400] =	vst v63  }
0x27: {  	_ =	swait.ge [sflag:s8], $0xBB80  }
0x28: {  	[sflag:s8] =	ssyncset.done $0x0  }
0x29: {  	s11 =	simm.s32 $0x2;
	[sflag:s8] =	ssyncadd.s32 $0xFFFF4480  }
0x2a: {  	[spmem:s2] =	stream.indirect.scatter.add.f32 [tilespmem:s10], [sflag:$0x2], $0x30, s6, s9, $0xb8;
	[tilespmem:$0x1F400] =	vst v63  }
0x2b: {  	_ =	swait.ge [sflag:s11], $0xBB80  }
0x2c: {  	[sflag:s11] =	ssyncset.done $0x0  }
0x2d: {  	[sflag:s11] =	ssyncadd.s32 $0xFFFF4480  }
0x2e: {  	[tilespmem:s10], [sflag:$0x1] =	stream.indirect.gather [spmem:s3], $0x30, s9, s9, $0xb8;
	[tilespmem:$0x1F400] =	vst v63  }
0x2f: {  	_ =	swait.ge [sflag:s8], $0xBB80  }
0x30: {  	[sflag:s8] =	ssyncset.done $0x0  }
0x31: {  	s1 =	simm.s32 $0x2AF8;
	[sflag:s8] =	ssyncadd.s32 $0xFFFF4480  }
0x32: {  	[spmem:s2] =	stream.indirect.scatter.add.f32 [tilespmem:s10], [sflag:$0x2], $0x30, s1, s9, $0xb8;
	[tilespmem:$0x1F400] =	vst v63  }
0x33: {  	_ =	swait.ge [sflag:s11], $0xBB80  }
0x34: {  	[sflag:s11] =	ssyncset.done $0x0  }
0x35: {  	s13 =	simm.s32 $0x7D0;
	[sflag:s11] =	ssyncadd.s32 $0xFFFF4480  }
0x36: {  	[tilespmem:s10], [sflag:$0x1] =	stream.indirect.gather [spmem:s3], $0x30, s13, s9, $0xb8;
	[tilespmem:$0x1F400] =	vst v63  }
0x37: {  	_ =	swait.ge [sflag:s8], $0xBB80  }
0x38: {  	[sflag:s8] =	ssyncset.done $0x0  }
0x39: {  	s14 =	simm.s32 $0x2EE0;
	[sflag:s8] =	ssyncadd.s32 $0xFFFF4480  }
0x3a: {  	[spmem:s2] =	stream.indirect.scatter.add.f32 [tilespmem:s10], [sflag:$0x2], $0x30, s14, s9, $0xb8;
	[tilespmem:$0x1F400] =	vst v63  }
0x3b: {  	_ =	swait.ge [sflag:s11], $0xBB80  }
0x3c: {  	[sflag:s11] =	ssyncset.done $0x0  }
0x3d: {  	s15 =	simm.s32 $0xBB8;
	[sflag:s11] =	ssyncadd.s32 $0xFFFF4480  }
0x3e: {  	[tilespmem:s10], [sflag:$0x1] =	stream.indirect.gather [spmem:s3], $0x30, s15, s9, $0xb8;
	[tilespmem:$0x1F400] =	vst v63  }
0x3f: {  	_ =	swait.ge [sflag:s8], $0xBB80  }
0x40: {  	[sflag:s8] =	ssyncset.done $0x0  }
0x41: {  	s16 =	simm.s32 $0x32C8;
	[sflag:s8] =	ssyncadd.s32 $0xFFFF4480  }
0x42: {  	[spmem:s2] =	stream.indirect.scatter.add.f32 [tilespmem:s10], [sflag:$0x2], $0x30, s16, s9, $0xb8;
	[tilespmem:$0x1F400] =	vst v63  }
0x43: {  	_ =	swait.ge [sflag:s11], $0xBB80  }
0x44: {  	[sflag:s11] =	ssyncset.done $0x0  }
0x45: {  	s17 =	simm.s32 $0xFA0;
	[sflag:s11] =	ssyncadd.s32 $0xFFFF4480  }
0x46: {  	[tilespmem:s10], [sflag:$0x1] =	stream.indirect.gather [spmem:s3], $0x30, s17, s9, $0xb8;
	[tilespmem:$0x1F400] =	vst v63  }
0x47: {  	_ =	swait.ge [sflag:s8], $0xBB80  }
0x48: {  	[sflag:s8] =	ssyncset.done $0x0  }
0x49: {  	s18 =	simm.s32 $0x36B0;
	[sflag:s8] =	ssyncadd.s32 $0xFFFF4480  }
0x4a: {  	[spmem:s2] =	stream.indirect.scatter.add.f32 [tilespmem:s10], [sflag:$0x2], $0x30, s18, s9, $0xb8;
	[tilespmem:$0x1F400] =	vst v63  }
0x4b: {  	_ =	swait.ge [sflag:s11], $0xBB80  }
0x4c: {  	[sflag:s11] =	ssyncset.done $0x0  }
0x4d: {  	s19 =	simm.s32 $0x1388;
	[sflag:s11] =	ssyncadd.s32 $0xFFFF4480  }
0x4e: {  	[tilespmem:s10], [sflag:$0x1] =	stream.indirect.gather [spmem:s3], $0x30, s19, s9, $0xb8;
	[tilespmem:$0x1F400] =	vst v63  }
0x4f: {  	_ =	swait.ge [sflag:s8], $0xBB80  }
0x50: {  	[sflag:s8] =	ssyncset.done $0x0  }
0x51: {  	s20 =	simm.s32 $0x3A98;
	[sflag:s8] =	ssyncadd.s32 $0xFFFF4480  }
0x52: {  	[spmem:s2] =	stream.indirect.scatter.add.f32 [tilespmem:s10], [sflag:$0x2], $0x30, s20, s9, $0xb8;
	[tilespmem:$0x1F400] =	vst v63  }
0x53: {  	_ =	swait.ge [sflag:s11], $0xBB80  }
0x54: {  	[sflag:s11] =	ssyncset.done $0x0  }
0x55: {  	s21 =	simm.s32 $0x1770;
	[sflag:s11] =	ssyncadd.s32 $0xFFFF4480  }
0x56: {  	[tilespmem:s10], [sflag:$0x1] =	stream.indirect.gather [spmem:s3], $0x30, s21, s9, $0xb8;
	[tilespmem:$0x1F400] =	vst v63  }
0x57: {  	_ =	swait.ge [sflag:s8], $0xBB80  }
0x58: {  	[sflag:s8] =	ssyncset.done $0x0  }
0x59: {  	s22 =	simm.s32 $0x3E80;
	[sflag:s8] =	ssyncadd.s32 $0xFFFF4480  }
0x5a: {  	[spmem:s2] =	stream.indirect.scatter.add.f32 [tilespmem:s10], [sflag:$0x2], $0x30, s22, s9, $0xb8;
	[tilespmem:$0x1F400] =	vst v63  }
0x5b: {  	_ =	swait.ge [sflag:s11], $0xBB80  }
0x5c: {  	[sflag:s11] =	ssyncset.done $0x0  }
0x5d: {  	s23 =	simm.s32 $0x1B58;
	[sflag:s11] =	ssyncadd.s32 $0xFFFF4480  }
0x5e: {  	[tilespmem:s10], [sflag:$0x1] =	stream.indirect.gather [spmem:s3], $0x30, s23, s9, $0xb8;
	[tilespmem:$0x1F400] =	vst v63  }
0x5f: {  	_ =	swait.ge [sflag:s8], $0xBB80  }
0x60: {  	[sflag:s8] =	ssyncset.done $0x0  }
0x61: {  	s24 =	simm.s32 $0x4268;
	[sflag:s8] =	ssyncadd.s32 $0xFFFF4480  }
0x62: {  	[spmem:s2] =	stream.indirect.scatter.add.f32 [tilespmem:s10], [sflag:$0x2], $0x30, s24, s9, $0xb8;
	[tilespmem:$0x1F400] =	vst v63  }
0x63: {  	_ =	swait.ge [sflag:s11], $0xBB80  }
0x64: {  	[sflag:s11] =	ssyncset.done $0x0  }
0x65: {  	s25 =	simm.s32 $0x1F40;
	[sflag:s11] =	ssyncadd.s32 $0xFFFF4480  }
0x66: {  	[tilespmem:s10], [sflag:$0x1] =	stream.indirect.gather [spmem:s3], $0x30, s25, s9, $0xb8;
	[tilespmem:$0x1F400] =	vst v63  }
0x67: {  	_ =	swait.ge [sflag:s8], $0xBB80  }
0x68: {  	[sflag:s8] =	ssyncset.done $0x0  }
0x69: {  	s26 =	simm.s32 $0x4650;
	[sflag:s8] =	ssyncadd.s32 $0xFFFF4480  }
0x6a: {  	[spmem:s2] =	stream.indirect.scatter.add.f32 [tilespmem:s10], [sflag:$0x2], $0x30, s26, s9, $0xb8;
	[tilespmem:$0x1F400] =	vst v63  }
0x6b: {  	_ =	swait.ge [sflag:s11], $0xBB80  }
0x6c: {  	[sflag:s11] =	ssyncset.done $0x0  }
0x6d: {  	s28 =	simm.s32 $0x2328;
	[sflag:s11] =	ssyncadd.s32 $0xFFFF4480  }
0x6e: {  	[tilespmem:s10], [sflag:$0x1] =	stream.indirect.gather [spmem:s3], $0x30, s28, s9, $0xb8;
	[tilespmem:$0x1F400] =	vst v63  }
0x6f: {  	_ =	swait.ge [sflag:s8], $0xBB80  }
0x70: {  	[sflag:s8] =	ssyncset.done $0x0  }
0x71: {  	s29 =	simm.s32 $0x4A38;
	[sflag:s8] =	ssyncadd.s32 $0xFFFF4480  }
0x72: {  	[spmem:s2] =	stream.indirect.scatter.add.f32 [tilespmem:s10], [sflag:$0x2], $0x30, s29, s9, $0xb8;
	[tilespmem:$0x1F400] =	vst v63  }
0x73: {  	_ =	swait.ge [sflag:s11], $0xBB80  }
0x74: {  	[sflag:s11] =	ssyncset.done $0x0  }
0x75: {  	s30 =	ssub.s32 $0x2, s30;
	[sflag:s11] =	ssyncadd.s32 $0xFFFF4480  }
0x76: {  	s1 =	sshrl.u32 s30, $0x1;
	[bflag:$0x0] =	sbarrier.arrive $0xFFFF  }
0x77: {  	s1 =	ssub.s32 s30, s1;
	s30 =	sor.u32 $0x1C02, s31;
	s12 =	rddreg [dreg:$0x7]  }
0x78: {  	[hbm:s12], [sflag:s30] =	dma.local [spmem:s7], $0xEA6  }
0x79: {  	s12 =	smax.u32 s1, $0x1  }
0x7a: {  	p0 =	sne.s32 s12, $0x1  }
.Ltmp0:
0x7b: {  	_ = 	snop;
	(pc) =	sbr.rel @!p0 .LBB2_2-.Ltmp0, $2  }
0x7c: {  	_ =	sdelay $0x2  }
0x7d: {  	s31 =	sadd.s32 $0xFFFFFFFF, s12;
	_ =	swait.ge [sflag:s11], $0xEA6  }
.LBB2_1:
0x7e: {  	s0 =	rddreg [dreg:$0x8];
	[sflag:s11] =	ssyncset.done $0x0  }
0x7f: {  	s1 =	rddreg [dreg:$0x5];
	[sflag:s11] =	ssyncadd.s32 $0xFFFFF15A  }
0x80: {  	[tilespmem:s4], [sflag:$0x1] =	stream.linear.gather [hbm4b:s0+s4], $0x2710, $0x38;
	[tilespmem:$0x1F400] =	vst v63  }
0x81: {  	s12 =	rddreg [dreg:$0x9]  }
0x82: {  	[tilespmem:s6], [sflag:$0x1] =	stream.linear.gather [hbm4b:s12+s4], $0x2710, $0x38;
	[tilespmem:$0x1F400] =	vst v63  }
0x83: {  	[spmem:s7], [sflag:s5] =	dma.local [hbm:s1], $0xEA6  }
0x84: {  	s12 =	rddreg [dreg:$0x6]  }
0x85: {  	s1 =	rddreg [dreg:$0xa]  }
0x86: {  	[spmem:s1], [sflag:s5] =	dma.local [hbm:s12], $0xEA6  }
0x87: {  	_ =	swait.ge [sflag:s8], $0x2710  }
0x88: {  	[sflag:s8] =	ssyncset.done $0x0  }
0x89: {  	[sflag:s8] =	ssyncadd.s32 $0xFFFFD8F0  }
0x8a: {  	_ =	swait.ge [sflag:s8], $0x2710  }
0x8b: {  	[sflag:s8] =	ssyncset.done $0x0  }
0x8c: {  	[sflag:s8] =	ssyncadd.s32 $0xFFFFD8F0  }
0x8d: {  	_ =	swait.ge [sflag:s8], $0xEA6  }
0x8e: {  	[sflag:s8] =	ssyncset.done $0x0  }
0x8f: {  	[sflag:s8] =	ssyncadd.s32 $0xFFFFF15A  }
0x90: {  	_ =	swait.ge [sflag:s8], $0xEA6  }
0x91: {  	[sflag:s8] =	ssyncset.done $0x0  }
0x92: {  	[sflag:s8] =	ssyncadd.s32 $0xFFFFF15A  }
0x93: {  	[bflag:$0x0] =	sbarrier.arrive $0xFFFF  }
0x94: {  	[tilespmem:s10], [sflag:$0x1] =	stream.indirect.gather [spmem:s3], $0x30, s4, s9, $0xb8;
	[tilespmem:$0x1F400] =	vst v63  }
0x95: {  	_ =	swait.ge [sflag:s8], $0xBB80  }
0x96: {  	[sflag:s8] =	ssyncset.done $0x0  }
0x97: {  	[sflag:s8] =	ssyncadd.s32 $0xFFFF4480  }
0x98: {  	[spmem:s2] =	stream.indirect.scatter.add.f32 [tilespmem:s10], [sflag:$0x2], $0x30, s6, s9, $0xb8;
	[tilespmem:$0x1F400] =	vst v63  }
0x99: {  	_ =	swait.ge [sflag:s11], $0xBB80  }
0x9a: {  	[sflag:s11] =	ssyncset.done $0x0  }
0x9b: {  	[sflag:s11] =	ssyncadd.s32 $0xFFFF4480  }
0x9c: {  	[tilespmem:s10], [sflag:$0x1] =	stream.indirect.gather [spmem:s3], $0x30, s9, s9, $0xb8;
	[tilespmem:$0x1F400] =	vst v63  }
0x9d: {  	_ =	swait.ge [sflag:s8], $0xBB80  }
0x9e: {  	[sflag:s8] =	ssyncset.done $0x0  }
0x9f: {  	s1 =	simm.s32 $0x2AF8;
	[sflag:s8] =	ssyncadd.s32 $0xFFFF4480  }
0xa0: {  	[spmem:s2] =	stream.indirect.scatter.add.f32 [tilespmem:s10], [sflag:$0x2], $0x30, s1, s9, $0xb8;
	[tilespmem:$0x1F400] =	vst v63  }
0xa1: {  	_ =	swait.ge [sflag:s11], $0xBB80  }
0xa2: {  	[sflag:s11] =	ssyncset.done $0x0  }
0xa3: {  	[sflag:s11] =	ssyncadd.s32 $0xFFFF4480  }
0xa4: {  	[tilespmem:s10], [sflag:$0x1] =	stream.indirect.gather [spmem:s3], $0x30, s13, s9, $0xb8;
	[tilespmem:$0x1F400] =	vst v63  }
0xa5: {  	_ =	swait.ge [sflag:s8], $0xBB80  }
0xa6: {  	[sflag:s8] =	ssyncset.done $0x0  }
0xa7: {  	[sflag:s8] =	ssyncadd.s32 $0xFFFF4480  }
0xa8: {  	[spmem:s2] =	stream.indirect.scatter.add.f32 [tilespmem:s10], [sflag:$0x2], $0x30, s14, s9, $0xb8;
	[tilespmem:$0x1F400] =	vst v63  }
0xa9: {  	_ =	swait.ge [sflag:s11], $0xBB80  }
0xaa: {  	[sflag:s11] =	ssyncset.done $0x0  }
0xab: {  	[sflag:s11] =	ssyncadd.s32 $0xFFFF4480  }
0xac: {  	[tilespmem:s10], [sflag:$0x1] =	stream.indirect.gather [spmem:s3], $0x30, s15, s9, $0xb8;
	[tilespmem:$0x1F400] =	vst v63  }
0xad: {  	_ =	swait.ge [sflag:s8], $0xBB80  }
0xae: {  	[sflag:s8] =	ssyncset.done $0x0  }
0xaf: {  	[sflag:s8] =	ssyncadd.s32 $0xFFFF4480  }
0xb0: {  	[spmem:s2] =	stream.indirect.scatter.add.f32 [tilespmem:s10], [sflag:$0x2], $0x30, s16, s9, $0xb8;
	[tilespmem:$0x1F400] =	vst v63  }
0xb1: {  	_ =	swait.ge [sflag:s11], $0xBB80  }
0xb2: {  	[sflag:s11] =	ssyncset.done $0x0  }
0xb3: {  	[sflag:s11] =	ssyncadd.s32 $0xFFFF4480  }
0xb4: {  	[tilespmem:s10], [sflag:$0x1] =	stream.indirect.gather [spmem:s3], $0x30, s17, s9, $0xb8;
	[tilespmem:$0x1F400] =	vst v63  }
0xb5: {  	_ =	swait.ge [sflag:s8], $0xBB80  }
0xb6: {  	[sflag:s8] =	ssyncset.done $0x0  }
0xb7: {  	[sflag:s8] =	ssyncadd.s32 $0xFFFF4480  }
0xb8: {  	[spmem:s2] =	stream.indirect.scatter.add.f32 [tilespmem:s10], [sflag:$0x2], $0x30, s18, s9, $0xb8;
	[tilespmem:$0x1F400] =	vst v63  }
0xb9: {  	_ =	swait.ge [sflag:s11], $0xBB80  }
0xba: {  	[sflag:s11] =	ssyncset.done $0x0  }
0xbb: {  	[sflag:s11] =	ssyncadd.s32 $0xFFFF4480  }
0xbc: {  	[tilespmem:s10], [sflag:$0x1] =	stream.indirect.gather [spmem:s3], $0x30, s19, s9, $0xb8;
	[tilespmem:$0x1F400] =	vst v63  }
0xbd: {  	_ =	swait.ge [sflag:s8], $0xBB80  }
0xbe: {  	[sflag:s8] =	ssyncset.done $0x0  }
0xbf: {  	[sflag:s8] =	ssyncadd.s32 $0xFFFF4480  }
0xc0: {  	[spmem:s2] =	stream.indirect.scatter.add.f32 [tilespmem:s10], [sflag:$0x2], $0x30, s20, s9, $0xb8;
	[tilespmem:$0x1F400] =	vst v63  }
0xc1: {  	_ =	swait.ge [sflag:s11], $0xBB80  }
0xc2: {  	[sflag:s11] =	ssyncset.done $0x0  }
0xc3: {  	[sflag:s11] =	ssyncadd.s32 $0xFFFF4480  }
0xc4: {  	[tilespmem:s10], [sflag:$0x1] =	stream.indirect.gather [spmem:s3], $0x30, s21, s9, $0xb8;
	[tilespmem:$0x1F400] =	vst v63  }
0xc5: {  	_ =	swait.ge [sflag:s8], $0xBB80  }
0xc6: {  	[sflag:s8] =	ssyncset.done $0x0  }
0xc7: {  	[sflag:s8] =	ssyncadd.s32 $0xFFFF4480  }
0xc8: {  	[spmem:s2] =	stream.indirect.scatter.add.f32 [tilespmem:s10], [sflag:$0x2], $0x30, s22, s9, $0xb8;
	[tilespmem:$0x1F400] =	vst v63  }
0xc9: {  	_ =	swait.ge [sflag:s11], $0xBB80  }
0xca: {  	[sflag:s11] =	ssyncset.done $0x0  }
0xcb: {  	[sflag:s11] =	ssyncadd.s32 $0xFFFF4480  }
0xcc: {  	[tilespmem:s10], [sflag:$0x1] =	stream.indirect.gather [spmem:s3], $0x30, s23, s9, $0xb8;
	[tilespmem:$0x1F400] =	vst v63  }
0xcd: {  	_ =	swait.ge [sflag:s8], $0xBB80  }
0xce: {  	[sflag:s8] =	ssyncset.done $0x0  }
0xcf: {  	[sflag:s8] =	ssyncadd.s32 $0xFFFF4480  }
0xd0: {  	[spmem:s2] =	stream.indirect.scatter.add.f32 [tilespmem:s10], [sflag:$0x2], $0x30, s24, s9, $0xb8;
	[tilespmem:$0x1F400] =	vst v63  }
0xd1: {  	_ =	swait.ge [sflag:s11], $0xBB80  }
0xd2: {  	[sflag:s11] =	ssyncset.done $0x0  }
0xd3: {  	[sflag:s11] =	ssyncadd.s32 $0xFFFF4480  }
0xd4: {  	[tilespmem:s10], [sflag:$0x1] =	stream.indirect.gather [spmem:s3], $0x30, s25, s9, $0xb8;
	[tilespmem:$0x1F400] =	vst v63  }
0xd5: {  	_ =	swait.ge [sflag:s8], $0xBB80  }
0xd6: {  	[sflag:s8] =	ssyncset.done $0x0  }
0xd7: {  	[sflag:s8] =	ssyncadd.s32 $0xFFFF4480  }
0xd8: {  	[spmem:s2] =	stream.indirect.scatter.add.f32 [tilespmem:s10], [sflag:$0x2], $0x30, s26, s9, $0xb8;
	[tilespmem:$0x1F400] =	vst v63  }
0xd9: {  	_ =	swait.ge [sflag:s11], $0xBB80  }
0xda: {  	[sflag:s11] =	ssyncset.done $0x0  }
0xdb: {  	[sflag:s11] =	ssyncadd.s32 $0xFFFF4480  }
0xdc: {  	[tilespmem:s10], [sflag:$0x1] =	stream.indirect.gather [spmem:s3], $0x30, s28, s9, $0xb8;
	[tilespmem:$0x1F400] =	vst v63  }
0xdd: {  	_ =	swait.ge [sflag:s8], $0xBB80  }
0xde: {  	[sflag:s8] =	ssyncset.done $0x0  }
0xdf: {  	[sflag:s8] =	ssyncadd.s32 $0xFFFF4480  }
0xe0: {  	[spmem:s2] =	stream.indirect.scatter.add.f32 [tilespmem:s10], [sflag:$0x2], $0x30, s29, s9, $0xb8;
	[tilespmem:$0x1F400] =	vst v63  }
0xe1: {  	_ =	swait.ge [sflag:s11], $0xBB80  }
0xe2: {  	p0 =	sne.s32 s31, $0x1;
	[sflag:s11] =	ssyncset.done $0x0  }
.Ltmp1:
0xe3: {  	[sflag:s11] =	ssyncadd.s32 $0xFFFF4480;
	(pc) =	sbr.rel @p0 .LBB2_1-.Ltmp1, $4  }
0xe4: {  	[bflag:$0x0] =	sbarrier.arrive $0xFFFF  }
0xe5: {  	s12 =	rddreg [dreg:$0x7]  }
0xe6: {  	[hbm:s12], [sflag:s30] =	dma.local [spmem:s7], $0xEA6  }
0xe7: {  	s31 =	sadd.s32 $0xFFFFFFFF, s31;
	_ =	swait.ge [sflag:s11], $0xEA6  }
.LBB2_2:
0xe8: {  	[sflag:s11] =	ssyncset.done $0x0  }
0xe9: {  	[sflag:s11] =	ssyncadd.s32 $0xFFFFF15A  }
0xea: {  	_ =	sfence.sel $0x180000  }
0xeb: {  	[bflag:$0x0] =	sbarrier.arrive $0xFFFF  }
0xec: {  	_ =	strace $0x9000004D  }
0xed: {  	s0 =	stileid.u32;
	[bflag:$0x2] =	sbarrier.arrive $0xFFFF  }
0xee: {  	p0 =	sne.s32 s0, $0x0;
	s0 =	rddreg [dreg:$0x4]  }
0xef: {  	s0 =	sadd.s32 @!p0 $0x100000, s0  }
0xf0: {  	[sflag:s0] =	ssyncadd.tile.s32 @!p0 $0x1;
	_ =	shalt  }
.Lfunc_end2:
_tile_overlayer_lowered:
.L_overlay_start_2:
0xf1: {  	(tag) =	ssettag $0x2  }
0xf2: {  	s0 =	rddreg [dreg:$0x0];
	s2 =	stileid.u32  }
0xf3: {  	s1 =	rddreg [dreg:$0x1];
	p0 =	sne.s32 s2, $0x0  }
0xf4: {  	s3 =	rddreg [dreg:$0x2];
	[bflag:$0x3] =	sbarrier.arrive $0xFFFF;
	s2 =	simm.s32 @!p0 $0x1C02  }
0xf5: {  	[timem:s3], [sflag:s2] =	dma.local @!p0 [hbm:s0], s1  }
0xf6: {  	s0 =	simm.s32 @!p0 $0x2  }
0xf7: {  	_ =	swait.ge @!p0 [sflag:s0], s1  }
0xf8: {  	s1 =	ssub.s32 @!p0 $0x0, s1;
	[sflag:s0] =	ssyncset.done @!p0 $0x0  }
0xf9: {  	[sflag:s0] =	ssyncadd.s32 @!p0 s1  }
0xfa: {  	[bflag:$0x3] =	sbarrier.arrive $0xFFFF  }
0xfb: {  	_ =	shalt  }

// kernel: kernel.8.cloned.1.call-start
scs
__scs_entry_jumppad:
0x0: {  	(pc) =	sbr.rel $0x88, $3  }
0x1: {  	(tag) =	ssettag $0x0;
	lr =	simm.s32 $0x1  }
0x2: {  	[smem:$0x3F95] =	sst lr;
	_ =	strace $0xD0000000  }
0x3: {  	_ = 	snop  }
0x4: {  	_ = 	snop  }
0x5: {  	_ = 	snop  }
0x6: {  	_ = 	snop  }
0x7: {  	_ = 	snop  }
__scs_overlays_trampoline_lowered:
0x8: {  	[smem:$0x3FA4] =	sst s0  }
0x9: {  	[smem:$0x3FA5] =	sst s1  }
0xa: {  	[smem:$0x3FA6] =	sst s2  }
0xb: {  	[smem:$0x3FA7] =	sst s3  }
0xc: {  	[smem:$0x3FA8] =	sst s4  }
0xd: {  	[smem:$0x3FA9] =	sst s5  }
0xe: {  	[smem:$0x3FAA] =	sst s6  }
0xf: {  	[smem:$0x3FAB] =	sst s7  }
0x10: {  	[smem:$0x3FAC] =	sst s8  }
0x11: {  	[smem:$0x3FAD] =	sst s9;
	s0 =	simm.s32 @!p0 $0x0  }
0x12: {  	s1 =	sld [smem:$0x3F93];
	s0 =	simm.s32 @p0 $0x1  }
0x13: {  	[smem:$0x3FAE] =	sst s0;
	s0 =	simm.s32 @!p1 $0x0  }
0x14: {  	s2 =	sld [smem:$0x3F92];
	s0 =	simm.s32 @p1 $0x1  }
0x15: {  	[smem:$0x3FAF] =	sst s0;
	s0 =	simm.s32 @!p2 $0x0  }
0x16: {  	s3 =	sld [smem:$0x3FDB];
	s0 =	simm.s32 @p2 $0x1  }
0x17: {  	s4 =	simm.s32 $0x1BF5;
	[smem:$0x3FB1] =	sst s0  }
0x18: {  	s0 =	sld [smem:$0x3F94];
	_ =	swait.ge [sflag:s4], $0x0  }
0x19: {  	s7 =	sld [smem:$0x3F95]  }
0x1a: {  	s8 =	sadd.s32 $0xFFFFE003, lr  }
0x1b: {  	s9 =	sadd.s32 $0xFFFFFEF7, lr;
	s5 =	simm.s32 $0xFFFFFFFF;
	p2 =	slt.u32 s8, $0xFFFFF086  }
0x1c: {  	p1 =	slt.u32 s9, $0xF7A;
	s5 =	simm.s32 @!p2 $0x0  }
0x1d: {  	s5 =	simm.s32 @p1 $0x1;
	p0 =	seq.s32 s7, s2  }
0x1e: {  	s7 =	smul.u32 @!p0 $0xF7A, s2;
	p2 =	seq.s32 @!p0 s5, $0x0  }
0x1f: {  	s9 =	smul.u32 $0xF7A, s1;
	s8 =	simm.s32 @!p0 $0x1BF5;
	p2 =	por !p2, p0  }
0x20: {  	[sflag:s8] =	ssyncset.s32 @!p0 $0xFFFFF086;
	s6 =	sadd.s32 @!p0 s3, s7;
	s7 =	simm.s32 @!p0 $0x108  }
0x21: {  	s3 =	sadd.s32 s3, s9;
	s6 =	sadd.s32 @!p0 $0x88, s6;
	s7 =	simm.s32 @p2 $0x1082  }
0x22: {  	[simem:s7], [sflag:s8] =	dma.local @!p0 [hbm:s6], $0xF7A  }
0x23: {  	s9 =	sor.u32 $0xD0000000, s2;
	s6 =	simm.s32 $0x108;
	_ =	swait.ge @!p0 [sflag:s8], $0x0  }
0x24: {  	s3 =	sadd.s32 $0x88, s3;
	s6 =	simm.s32 @!p1 $0x1082;
	[sflag:s4] =	ssyncset.s32 $0xFFFFF086  }
0x25: {  	[simem:s6], [sflag:s4] =	dma.local [hbm:s3], $0xF7A  }
0x26: {  	[smem:$0x3F95] =	sst s1;
	(tag) =	ssettag s2;
	_ =	strace s9  }
0x27: {  	s1 =	sld [smem:$0x3FA5]  }
0x28: {  	s2 =	sld [smem:$0x3FA6]  }
0x29: {  	s4 =	sld [smem:$0x3FA8]  }
0x2a: {  	p0 =	seq.s32 s5, $0x0;
	s5 =	sld [smem:$0x3FA9]  }
0x2b: {  	s6 =	sld [smem:$0x3FAA]  }
0x2c: {  	s7 =	sld [smem:$0x3FAB]  }
0x2d: {  	s3 =	simm.s32 $0x108;
	s8 =	sld [smem:$0x3FAC]  }
0x2e: {  	s3 =	simm.s32 @!p0 $0x1082;
	s9 =	sld [smem:$0x3FAD]  }
0x2f: {  	lr =	sadd.s32 s0, s3;
	s0 =	sld [smem:$0x3FA4]  }
0x30: {  	s3 =	sld [smem:$0x3FA7]  }
0x31: {  	[smem:$0x3FB0] =	sst s10  }
0x32: {  	s10 =	sld [smem:$0x3FAE];
	_ =	sdelay $0x3  }
0x33: {  	p0 =	seq.s32 s10, $0x1;
	s10 =	sld [smem:$0x3FB0];
	_ =	sdelay $0x3  }
0x34: {  	[smem:$0x3FB0] =	sst s10  }
0x35: {  	s10 =	sld [smem:$0x3FAF];
	_ =	sdelay $0x3  }
0x36: {  	p1 =	seq.s32 s10, $0x1;
	s10 =	sld [smem:$0x3FB0];
	_ =	sdelay $0x3  }
0x37: {  	[smem:$0x3FB0] =	sst s10  }
0x38: {  	s10 =	sld [smem:$0x3FB1]  }
0x39: {  	_ = 	snop;
	(pc) =	sbr.ind lr, $3  }
0x3a: {  	_ = 	snop  }
0x3b: {  	_ = 	snop  }
0x3c: {  	p2 =	seq.s32 s10, $0x1;
	s10 =	sld [smem:$0x3FB0]  }
0x3d: {  	_ =	shalt  }
0x3e: {  	_ =	shalt  }
0x3f: {  	_ =	shalt  }
0x40: {  	_ =	shalt  }
0x41: {  	_ =	shalt  }
0x42: {  	_ =	shalt  }
0x43: {  	_ =	shalt  }
0x44: {  	_ =	shalt  }
0x45: {  	_ =	shalt  }
0x46: {  	_ =	shalt  }
0x47: {  	_ =	shalt  }
0x48: {  	_ =	shalt  }
0x49: {  	_ =	shalt  }
0x4a: {  	_ =	shalt  }
0x4b: {  	_ =	shalt  }
0x4c: {  	_ =	shalt  }
0x4d: {  	_ =	shalt  }
0x4e: {  	_ =	shalt  }
0x4f: {  	_ =	shalt  }
0x50: {  	_ =	shalt  }
0x51: {  	_ =	shalt  }
0x52: {  	_ =	shalt  }
0x53: {  	_ =	shalt  }
0x54: {  	_ =	shalt  }
0x55: {  	_ =	shalt  }
0x56: {  	_ =	shalt  }
0x57: {  	_ =	shalt  }
0x58: {  	_ =	shalt  }
0x59: {  	_ =	shalt  }
0x5a: {  	_ =	shalt  }
0x5b: {  	_ =	shalt  }
0x5c: {  	_ =	shalt  }
0x5d: {  	_ =	shalt  }
0x5e: {  	_ =	shalt  }
0x5f: {  	_ =	shalt  }
0x60: {  	_ =	shalt  }
0x61: {  	_ =	shalt  }
0x62: {  	_ =	shalt  }
0x63: {  	_ =	shalt  }
0x64: {  	_ =	shalt  }
0x65: {  	_ =	shalt  }
0x66: {  	_ =	shalt  }
0x67: {  	_ =	shalt  }
0x68: {  	_ =	shalt  }
0x69: {  	_ =	shalt  }
0x6a: {  	_ =	shalt  }
0x6b: {  	_ =	shalt  }
0x6c: {  	_ =	shalt  }
0x6d: {  	_ =	shalt  }
0x6e: {  	_ =	shalt  }
0x6f: {  	_ =	shalt  }
0x70: {  	_ =	shalt  }
0x71: {  	_ =	shalt  }
0x72: {  	_ =	shalt  }
0x73: {  	_ =	shalt  }
0x74: {  	_ =	shalt  }
0x75: {  	_ =	shalt  }
0x76: {  	_ =	shalt  }
0x77: {  	_ =	shalt  }
0x78: {  	_ =	shalt  }
0x79: {  	_ =	shalt  }
0x7a: {  	_ =	shalt  }
0x7b: {  	_ =	shalt  }
0x7c: {  	_ =	shalt  }
0x7d: {  	_ =	shalt  }
0x7e: {  	_ =	shalt  }
0x7f: {  	_ =	shalt  }
0x80: {  	_ =	shalt  }
0x81: {  	_ =	shalt  }
0x82: {  	_ =	shalt  }
0x83: {  	_ =	shalt  }
0x84: {  	_ =	shalt  }
0x85: {  	_ =	shalt  }
0x86: {  	_ =	shalt  }
0x87: {  	_ =	shalt  }
.Lfunc_end0:
.L_simem_size_0:
called_computation_lowered:
.L_overlay_start_0:
0x88: {  	s2 =	sld [smem:$0x3FD9]  }
0x89: {  	s3 =	sld [smem:$0x3FFE];
	_ =	sdelay $0x1  }
0x8a: {  	s1 =	srdreg.scid  }
0x8b: {  	s0 =	sand.u32 $0x1, s1  }
0x8c: {  	s17 =	sshll.u32 s0, $0xA;
	s2 =	sadd.s32 s3, s2  }
0x8d: {  	s2 =	sadd.s32 s2, s17  }
0x8e: {  	[smem:$0x3FBC] =	sst s2  }
0x8f: {  	_ = 	snop  }
0x90: {  	s2 =	sld [smem:$0x3FC8]  }
0x91: {  	s18 =	sld [smem:$0x3FD0];
	(tm) =	ssettm $0x1  }
0x92: {  	s4 =	sld [smem:$0x3FFB];
	_ =	sdelay $0x3  }
0x93: {  	_ =	strace s4  }
0x94: {  	s4 =	sld [smem:$0x3FFC];
	_ =	sdelay $0x3  }
0x95: {  	_ =	strace s4  }
0x96: {  	s4 =	sld [smem:$0x3FFD];
	_ =	sdelay $0x3  }
0x97: {  	_ =	strace s4  }
0x98: {  	_ =	strace $0x8FFFFFFF  }
0x99: {  	s19 =	sld [smem:$0x3FDB];
	_ =	sdelay $0x1  }
0x9a: {  	s5 =	simm.s32 $_scs_section_size  }
0x9b: {  	s6 =	simm.s32 $_size__tile_overlayer_lowered;
	s7 =	simm.s32 $_tile_overlayer_lowered  }
0x9c: {  	s22 =	simm.s32 $0x1BFF;
	s21 =	sshll.u32 s7, $0x1;
	s4 =	sadd.s32 s5, s19  }
0x9d: {  	s8 =	simm.s32 $0x0;
	s20 =	sshll.u32 s6, $0x1;
	s6 =	sadd.s32 s21, s4  }
0x9e: {  	[timem:s8], [sflag:s22] =	dma.local [hbm:s6], s20  }
0x9f: {  	_ =	swait.ge [sflag:s22], s20  }
0xa0: {  	s5 =	ssub.s32 $0x0, s20;
	[sflag:s22] =	ssyncset.done $0x0  }
0xa1: {  	[sflag:s22] =	ssyncadd.s32 s5;
	_ =	sdelay $0x1  }
0xa2: {  	s23 =	simm.s32 $0x1B8B  }
0xa3: {  	_ =	swait.ge [sflag:s23], $0x1  }
0xa4: {  	[sflag:s23] =	ssyncset.done $0x0  }
0xa5: {  	s25 =	simm.s32 $0x1B8E;
	s24 =	sld [smem:$0x3FFE];
	[sflag:s23] =	ssyncadd.s32 $0xFFFFFFFF  }
0xa6: {  	s26 =	simm.s32 $execute0_lowered;
	[smem:$0x3FD2] =	sst s25  }
0xa7: {  	s6 =	sshll.u32 s26, $0x1;
	_ =	strace $0x80000046;
	[dreg:$0x1] =	wrdreg $0xFFFFFFFF  }
0xa8: {  	s28 =	simm.s32 $_size_execute0_lowered;
	s4 =	sadd.s32 s4, s6;
	[dreg:$0x0] =	wrdreg $0x0  }
0xa9: {  	s6 =	sshll.u32 s28, $0x1;
	[dreg:$0x2] =	wrdreg s4  }
0xaa: {  	[dreg:$0x3] =	wrdreg s6  }
0xab: {  	[dreg:$0x4] =	wrdreg $0xC0  }
0xac: {  	_ =	task [dreg:s8], $0x5FFFF  }
0xad: {  	[dreg:$0x1] =	wrdreg $0xFFFFFFFF  }
0xae: {  	[dreg:$0x0] =	wrdreg $0x60  }
0xaf: {  	[dreg:$0x2] =	wrdreg s24  }
0xb0: {  	[dreg:$0x3] =	wrdreg s18  }
0xb1: {  	[dreg:$0x4] =	wrdreg s2  }
0xb2: {  	[dreg:$0x5] =	wrdreg $0xB2200  }
0xb3: {  	[dreg:$0x6] =	wrdreg $0x9  }
0xb4: {  	_ =	task.clear_ibuf [dreg:s8], $0x7FFFF;
	_ =	strace $0x90000046  }
0xb5: {  	s29 =	simm.s32 $0x9;
	_ =	strace $0x80000048  }
0xb6: {  	_ =	swait.ge [sflag:s29], $0x1  }
0xb7: {  	[sflag:s29] =	ssyncadd.s32 $0xFFFFFFFF  }
0xb8: {  	_ =	strace $0x90000048  }
0xb9: {  	_ =	sfence  }
0xba: {  	s30 =	sld [smem:$0x0];
	_ =	sdelay $0x2  }
0xbb: {  	s31 =	sshll.u32 s1, $0xD;
	s1 =	sshrl.u32 s1, $0x2  }
0xbc: {  	s3 =	sand.u32 $0x4000, s31;
	s1 =	sadd.s32 s1, s30  }
0xbd: {  	s0 =	sor.u32 s3, s0;
	s1 =	sshll.u32 s1, $0x11  }
0xbe: {  	s0 =	sor.u32 s1, s0  }
0xbf: {  	s0 =	sadd.s32 $0x8F2B, s0  }
0xc0: {  	[sflag:s0] =	ssyncadd.remote.s32 $0x1  }
0xc1: {  	_ =	sfence.sel $0xFFFF  }
0xc2: {  	[dreg:$0x0] =	wrdreg $0xFFFFFFFF;
	(pc) =	sbr.abs _section_cstart, $3  }
0xc3: {  	[dreg:$0x1] =	wrdreg $0xFFFFFFFF  }
0xc4: {  	_ =	task.clear_ibuf [dreg:s8], $0x2FFFF;
	_ =	strace $0x9FFFFFFF  }
0xc5: {  	(tm) =	ssettm $0x7FFFFFFF  }
tec
execute0_lowered:
.L_overlay_start_1:
0x0: {  	(tag) =	ssettag $0x1  }
0x1: {  	s6 =	rddreg [dreg:$0x0]  }
0x2: {  	s9 =	rddreg [dreg:$0x1]  }
0x3: {  	s2 =	rddreg [dreg:$0x2]  }
0x4: {  	s3 =	rddreg [dreg:$0x3]  }
0x5: {  	s1 =	stileid.u32;
	s0 =	rddreg [dreg:$0x4]  }
0x6: {  	s7 =	srdreg.scid;
	s4 =	simm.s32 $0x0;
	s14 =	simm.s32 $0xC8  }
0x7: {  	s15 =	simm.s32 $0x4E20;
	s16 =	simm.s32 $0x2;
	s5 =	smul.u32 $0x2710, s1  }
0x8: {  	s18 =	simm.s32 $0x0;
	s8 =	smul.u32 $0x4E2, s1;
	s7 =	sand.u32 $0x1, s7  }
0x9: {  	s10 =	smul.u32 $0x13880, s1;
	[smem:$0x7FF] =	sst s4;
	s17 =	sshll.u32 s1, $0x6  }
0xa: {  	s11 =	smul.u32 $0x138800, s7;
	p0 =	seq.s32 s7, $0x0;
	s7 =	ssub.s32 $0x2, s7  }
0xb: {  	_ =	strace $0x80000047;
	s5 =	sshrl.u32 s5, $0x3;
	s13 =	sshrl.u32 s7, $0x1  }
0xc: {  	s31 =	sadd.s32 s10, s3;
	s12 =	sadd.s32 $0x4E20, s5;
	s29 =	sadd.s32 s11, s10  }
0xd: {  	s5 =	sadd.s32 $0xBE00, s6;
	s30 =	ssub.s32 s7, s13;
	s10 =	sor.u32 $0x1C01, s17  }
0xe: {  	s13 =	simm.s32 $0x1;
	s12 =	smov.u32 @p0 s8;
	s11 =	sshrl.u32 s29, $0x3  }
0xf: {  	s17 =	sor.u32 $0x1C02, s17;
	s8 =	sadd.s32 s12, s6;
	s11 =	sadd.s32 s11, s6  }
0x10: {  	s6 =	smax.u32 s30, $0x1;
	s9 =	sadd.s32 s9, s12;
	s12 =	sshrl.u32 s31, $0x3  }
0x11: {  	s7 =	sadd.s32 $0xE600, s11;
	s8 =	sadd.s32 $0x2000, s8;
	s11 =	simm.s32 $0x2710  }
.LBB2_1:
0x12: {  	[tilespmem:s4], [sflag:$0x1] =	stream.linear.gather [hbm4b:s8+s4], $0x2710, $0x38;
	[tilespmem:$0x1EAA0] =	vst v63  }
0x13: {  	_ = 	snop  }
0x14: {  	[tilespmem:s11], [sflag:$0x1] =	stream.linear.gather [hbm4b:s9+s4], $0x2710, $0x38;
	[tilespmem:$0x1EAA0] =	vst v63  }
0x15: {  	[spmem:s12], [sflag:s10] =	dma.local [hbm:s5], $0x2710  }
0x16: {  	_ =	swait.ge [sflag:s13], $0x2710  }
0x17: {  	[sflag:s13] =	ssyncset.done $0x0  }
0x18: {  	[sflag:s13] =	ssyncadd.s32 $0xFFFFD8F0  }
0x19: {  	_ =	swait.ge [sflag:s13], $0x2710  }
0x1a: {  	[sflag:s13] =	ssyncset.done $0x0  }
0x1b: {  	[sflag:s13] =	ssyncadd.s32 $0xFFFFD8F0  }
0x1c: {  	_ =	swait.ge [sflag:s13], $0x2710  }
0x1d: {  	[sflag:s13] =	ssyncset.done $0x0  }
0x1e: {  	[sflag:s13] =	ssyncadd.s32 $0xFFFFD8F0  }
0x1f: {  	s19 =	simm.s32 $0x0;
	[bflag:$0x0] =	sbarrier.arrive $0xFFFF  }
0x20: {  	[tilespmem:s15], [sflag:$0x1] =	stream.indirect.gather [hbm4b:s2+s14], $0x80, s19, s14, $0xb8;
	[tilespmem:$0x1EAA0] =	vst v63  }
0x21: {  	_ =	swait.ge [sflag:s13], $0x6400  }
0x22: {  	[sflag:s13] =	ssyncset.done $0x0  }
0x23: {  	s31 =	simm.s32 $0x2710;
	[sflag:s13] =	ssyncadd.s32 $0xFFFF9C00  }
0x24: {  	[spmem:s3] =	stream.indirect.scatter.add.f32 [tilespmem:s15], [sflag:$0x2], $0x80, s31, s14, $0xb8;
	[tilespmem:$0x1EAA0] =	vst v63  }
0x25: {  	_ =	swait.ge [sflag:s16], $0x6400  }
0x26: {  	s20 =	simm.s32 $0x640;
	s19 =	simm.s32 $0x320;
	[sflag:s16] =	ssyncset.done $0x0  }
.LBB2_2:
0x27: {  	s21 =	sshra.s32 s19, $0x2  }
0x28: {  	[sflag:s16] =	ssyncadd.s32 $0xFFFF9C00;
	s19 =	smov.u32 s20;
	s22 =	sadd.s32 $0x320, s20  }
0x29: {  	[tilespmem:s15], [sflag:$0x1] =	stream.indirect.gather [hbm4b:s2+s14], $0x80, s21, s14, $0xb8;
	[tilespmem:$0x1EAA0] =	vst v63  }
0x2a: {  	p0 =	sne.s32 s20, $0x9920;
	_ =	swait.ge [sflag:s13], $0x6400  }
.Ltmp0:
0x2b: {  	[sflag:s13] =	ssyncset.done $0x0;
	(pc) =	sbr.rel @p0 .LBB2_2-.Ltmp0, $4  }
0x2c: {  	s20 =	sadd.s32 $0x2710, s21;
	[sflag:s13] =	ssyncadd.s32 $0xFFFF9C00  }
0x2d: {  	[spmem:s3] =	stream.indirect.scatter.add.f32 [tilespmem:s15], [sflag:$0x2], $0x80, s20, s14, $0xb8;
	[tilespmem:$0x1EAA0] =	vst v63  }
0x2e: {  	_ =	swait.ge [sflag:s16], $0x6400  }
0x2f: {  	s20 =	smov.u32 s22;
	[sflag:s16] =	ssyncset.done $0x0  }
0x30: {  	s19 =	sshra.s32 s19, $0x2;
	[sflag:s16] =	ssyncadd.s32 $0xFFFF9C00  }
0x31: {  	[tilespmem:s15], [sflag:$0x1] =	stream.indirect.gather [hbm4b:s2+s14], $0x80, s19, s14, $0xb8;
	[tilespmem:$0x1EAA0] =	vst v63  }
0x32: {  	_ =	swait.ge [sflag:s13], $0x6400  }
0x33: {  	[sflag:s13] =	ssyncset.done $0x0  }
0x34: {  	s19 =	sadd.s32 $0x2710, s19;
	[sflag:s13] =	ssyncadd.s32 $0xFFFF9C00  }
0x35: {  	[spmem:s3] =	stream.indirect.scatter.add.f32 [tilespmem:s15], [sflag:$0x2], $0x80, s19, s14, $0xb8;
	[tilespmem:$0x1EAA0] =	vst v63  }
0x36: {  	_ =	swait.ge [sflag:s16], $0x6400  }
0x37: {  	s18 =	sadd.s32 $0x1, s18;
	[sflag:s16] =	ssyncset.done $0x0  }
0x38: {  	p0 =	sne.s32 s18, s6;
	[sflag:s16] =	ssyncadd.s32 $0xFFFF9C00  }
.Ltmp1:
0x39: {  	[bflag:$0x0] =	sbarrier.arrive $0xFFFF;
	(pc) =	sbr.rel @p0 .LBB2_1-.Ltmp1, $4  }
0x3a: {  	[hbm:s7], [sflag:s17] =	dma.local [spmem:s12], $0x2710  }
0x3b: {  	_ =	swait.ge [sflag:s16], $0x2710  }
0x3c: {  	[sflag:s16] =	ssyncset.done $0x0  }
0x3d: {  	[sflag:s16] =	ssyncadd.s32 $0xFFFFD8F0  }
0x3e: {  	_ =	sfence.sel $0x180000  }
0x3f: {  	[bflag:$0x0] =	sbarrier.arrive $0xFFFF  }
0x40: {  	p0 =	sne.s32 s1, $0x0;
	_ =	strace $0x90000047  }
0x41: {  	s0 =	sadd.s32 @!p0 $0x100000, s0;
	[bflag:$0x2] =	sbarrier.arrive $0xFFFF  }
0x42: {  	[sflag:s0] =	ssyncadd.tile.s32 @!p0 $0x1;
	_ =	shalt  }
.Lfunc_end2:
_tile_overlayer_lowered:
.L_overlay_start_2:
0x43: {  	(tag) =	ssettag $0x2  }
0x44: {  	s0 =	rddreg [dreg:$0x0];
	s2 =	stileid.u32  }
0x45: {  	s1 =	rddreg [dreg:$0x1];
	p0 =	sne.s32 s2, $0x0  }
0x46: {  	s3 =	rddreg [dreg:$0x2];
	[bflag:$0x3] =	sbarrier.arrive $0xFFFF;
	s2 =	simm.s32 @!p0 $0x1C02  }
0x47: {  	[timem:s3], [sflag:s2] =	dma.local @!p0 [hbm:s0], s1  }
0x48: {  	s0 =	simm.s32 @!p0 $0x2  }
0x49: {  	_ =	swait.ge @!p0 [sflag:s0], s1  }
0x4a: {  	s1 =	ssub.s32 @!p0 $0x0, s1;
	[sflag:s0] =	ssyncset.done @!p0 $0x0  }
0x4b: {  	[sflag:s0] =	ssyncadd.s32 @!p0 s1  }
0x4c: {  	[bflag:$0x3] =	sbarrier.arrive $0xFFFF  }
0x4d: {  	_ =	shalt  }

</sc_bundles>
